<compile_context>
chip_gen: v7x
topology: tpu7x:2x2x1
jax: 0.10.2.dev20260603
libtpu: 0.0.44.dev20260713+nightly
codegen_flags: <defaults>
</compile_context>

<pallas_src>
import jax
import jax.numpy as jnp
from jax import lax
from jax.experimental import pallas as pl
from jax.experimental.pallas import tpu as pltpu
from jax.experimental.pallas import tpu_sc as plsc

VOCAB = 1000000
EMB_DIM = 64
BATCH = 1024
SEQ = 200

NW = 32
ROWS_PER_W = BATCH // NW
W0 = 128
W1 = SEQ - W0
NBUF = 4


def _gather_fn():
    mesh = plsc.VectorSubcoreMesh(
        core_axis_name="core", subcore_axis_name="subcore"
    )

    @jax.jit
    def gather(table, idx):
        @pl.kernel(
            out_type=jax.ShapeDtypeStruct((BATCH, SEQ, EMB_DIM), table.dtype),
            mesh=mesh,
            scratch_types=[
                pltpu.VMEM((ROWS_PER_W, SEQ), jnp.int32),
                pltpu.VMEM((NBUF, SEQ, 2 * EMB_DIM), jnp.float32),
                pltpu.SemaphoreType.DMA,
                pltpu.SemaphoreType.DMA((NBUF,)),
                pltpu.SemaphoreType.DMA((NBUF,)),
            ],
            compiler_params=pltpu.CompilerParams(use_tc_tiling_on_sc=False),
        )
        def kernel(x_hbm, i_hbm, o_hbm, idx_v, rows_v, isem, gsem, ssem):
            cid = lax.axis_index("core")
            sid = lax.axis_index("subcore")
            wid = sid * 2 + cid
            row0 = wid * ROWS_PER_W

            pltpu.async_copy(
                i_hbm.at[pl.ds(row0, ROWS_PER_W)], idx_v, isem
            ).wait()

            def start_row(r, b):
                pltpu.async_copy(
                    x_hbm.at[idx_v.at[r, pl.ds(0, W0)]],
                    rows_v.at[b, pl.ds(0, W0)],
                    gsem.at[b],
                )
                pltpu.async_copy(
                    x_hbm.at[idx_v.at[r, pl.ds(W0, W1)]],
                    rows_v.at[b, pl.ds(W0, W1)],
                    gsem.at[b],
                )

            def wait_row(r, b):
                pltpu.make_async_copy(
                    x_hbm.at[idx_v.at[r, pl.ds(0, W0)]],
                    rows_v.at[b, pl.ds(0, W0)],
                    gsem.at[b],
                ).wait()
                pltpu.make_async_copy(
                    x_hbm.at[idx_v.at[r, pl.ds(W0, W1)]],
                    rows_v.at[b, pl.ds(W0, W1)],
                    gsem.at[b],
                ).wait()

            for b in range(NBUF):
                start_row(b, b)

            @pl.loop(0, ROWS_PER_W, step=NBUF)
            def _(r0):
                for b in range(NBUF):
                    r = r0 + b
                    wait_row(r, b)
                    out_slice = o_hbm.at[row0 + r]
                    src = rows_v.at[b, :, pl.ds(0, EMB_DIM)]
                    pltpu.async_copy(src, out_slice, ssem.at[b])
                    pltpu.make_async_copy(src, out_slice, ssem.at[b]).wait()

                    @pl.when(r + NBUF < ROWS_PER_W)
                    def _():
                        start_row(r + NBUF, b)

        return kernel(table, idx)

    return gather


_gather = _gather_fn()


def kernel(inp, emb_weight):
    idx = jnp.clip(inp, 0, VOCAB - 1)
    tpad = jnp.pad(emb_weight, ((0, 0), (0, EMB_DIM)))
    return _gather(tpad, idx)

# --- scband reference (transcript-rebuilt; emitter-appended) ---
"""Pipeline reference for scband-word-embedding-42382737277590 (READ-ONLY COPY).

The authoritative reference and input builder live on the scoring server;
editing this copy changes nothing except your own understanding.
"""

import jax, jax.numpy as jnp
import numpy as np

VOCAB = 1000000
EMB_DIM = 64
BATCH = 1024
SEQ = 200

def setup_inputs(seed: int = 0) -> dict:
    key = jax.random.key(seed)
    k1, k2 = jax.random.split(key)
    inp = jax.random.randint(k1, (BATCH, SEQ), 0, VOCAB, dtype=jnp.int32)
    # learned embedding table (tied with output head, but forward with reverse=False only uses emb)
    emb_weight = jax.random.normal(k2, (VOCAB, EMB_DIM), dtype=jnp.float32) * 0.02
    return {"inp": inp, "emb_weight": emb_weight}

def reference(inp, emb_weight):
    # WordEmbedding.forward(inp, reverse=False) with abs_pos=False, padding_idx=None:
    # out = self.emb(inp)  -> plain embedding gather
    out = jnp.take(emb_weight, inp, axis=0)
    return out

if __name__ == "__main__":
    import jax
    _d = setup_inputs()
    print(jax.jit(kernel)(*tuple(_d.values())))

</pallas_src>

<mosaic_0001>
#map = affine_map<(d0, d1) -> (0, 0)>
#map1 = affine_map<(d0, d1) -> (0, 0, 0)>
module attributes {stable_mosaic.version = 14 : i64} {
  func.func @kernel(%arg0: i32, %arg1: i32, %arg2: memref<1000000x128xf32, #tpu.memory_space<hbm>>, %arg3: memref<1024x200xi32, #tpu.memory_space<hbm>>, %arg4: memref<1024x200x64xf32, #tpu.memory_space<hbm>>, %arg5: memref<32x200xi32, #tpu.memory_space<vmem>>, %arg6: memref<4x200x128xf32, #tpu.memory_space<vmem>>, %arg7: memref<!tpu.dma_semaphore, #tpu.memory_space<semaphore_mem>>, %arg8: memref<4x!tpu.dma_semaphore, #tpu.memory_space<semaphore_mem>>, %arg9: memref<4x!tpu.dma_semaphore, #tpu.memory_space<semaphore_mem>>) attributes {dimension_semantics = [#tpu.dimension_semantics<core_parallel>, #tpu.dimension_semantics<subcore_parallel>], iteration_bounds = array<i64: 2, 16>, scalar_prefetch = 0 : i64, scratch_operands = 5 : i64, tpu.core_type = #tpu.core_type<sc_vector_subcore>, window_params = [{transform_indices = #map}, {transform_indices = #map}, {transform_indices = #map1}]} {
    %mul3A = arith.constant 2 : i32
    %mul3A_0 = arith.muli %arg1, %mul3A : i32
    %add3A = arith.addi %mul3A_0, %arg0 : i32
    %mul3A_1 = arith.constant 32 : i32
    %mul3A_2 = arith.muli %add3A, %mul3A_1 : i32
    %dma_start3A = arith.constant 0 : i32
    %dma_start3A_3 = tpu.memref_slice %arg3[%mul3A_2, %dma_start3A] : memref<1024x200xi32, #tpu.memory_space<hbm>> -> memref<32x200xi32, #tpu.memory_space<hbm>>
    %dma_start3A_4 = arith.constant 0 : i32
    %dma_start3A_5 = tpu.memref_slice %arg3[%mul3A_2, %dma_start3A_4] : memref<1024x200xi32, #tpu.memory_space<hbm>> -> memref<32x200xi32, #tpu.memory_space<hbm>>
    tpu.enqueue_dma source(%dma_start3A_5 : memref<32x200xi32, #tpu.memory_space<hbm>>) target(%arg5 : memref<32x200xi32, #tpu.memory_space<vmem>>) target_semaphore(%arg7 : memref<!tpu.dma_semaphore, #tpu.memory_space<semaphore_mem>>)
    %dma_wait3A = arith.constant 0 : i32
    %dma_wait3A_6 = tpu.memref_slice %arg3[%mul3A_2, %dma_wait3A] : memref<1024x200xi32, #tpu.memory_space<hbm>> -> memref<32x200xi32, #tpu.memory_space<hbm>>
    %dma_wait3A_7 = arith.constant 0 : i32
    %dma_wait3A_8 = tpu.memref_slice %arg3[%mul3A_2, %dma_wait3A_7] : memref<1024x200xi32, #tpu.memory_space<hbm>> -> memref<32x200xi32, #tpu.memory_space<hbm>>
    tpu.wait_dma2 semaphore(%arg7 : memref<!tpu.dma_semaphore, #tpu.memory_space<semaphore_mem>>) src(%dma_wait3A_8 : memref<32x200xi32, #tpu.memory_space<hbm>>) dst(%arg5 : memref<32x200xi32, #tpu.memory_space<vmem>>)
    %dma_start3A_9 = arith.constant 0 : i32
    %dma_start3A_10 = arith.constant 0 : i32
    %dma_start3A_11 = arith.constant 0 : i32
    %dma_start3A_12 = arith.constant 0 : i32
    %dma_start3A_13 = arith.constant 0 : i32
    %dma_start3A_14 = tpu.memref_slice %arg6[%dma_start3A_10, %dma_start3A_12, %dma_start3A_13] : memref<4x200x128xf32, #tpu.memory_space<vmem>> -> memref<1x128x128xf32, #tpu.memory_space<vmem>>
    %dma_start3A_15 = tpu.memref_squeeze %dma_start3A_14 : memref<1x128x128xf32, #tpu.memory_space<vmem>> -> memref<128x128xf32, #tpu.memory_space<vmem>>
    %dma_start3A_16 = arith.constant 0 : i32
    %dma_start3A_17 = tpu.memref_slice %arg5[%dma_start3A_9, %dma_start3A_16] : memref<32x200xi32, #tpu.memory_space<vmem>> -> memref<1x128xi32, #tpu.memory_space<vmem>>
    %dma_start3A_18 = tpu.memref_squeeze %dma_start3A_17 : memref<1x128xi32, #tpu.memory_space<vmem>> -> memref<128xi32, #tpu.memory_space<vmem>>
    %dma_start3A_19 = arith.constant 0 : i32
    %dma_start3A_20 = arith.constant 0 : i32
    %dma_start3A_21 = tpu.memref_slice %arg2[%dma_start3A_19, %dma_start3A_20] : memref<1000000x128xf32, #tpu.memory_space<hbm>> -> memref<1000000x128xf32, #tpu.memory_space<hbm>>
    %dma_start3A_22 = tpu.memref_slice %arg8[%dma_start3A_11] : memref<4x!tpu.dma_semaphore, #tpu.memory_space<semaphore_mem>> -> memref<1x!tpu.dma_semaphore, #tpu.memory_space<semaphore_mem>>
    %dma_start3A_23 = tpu.memref_squeeze %dma_start3A_22 : memref<1x!tpu.dma_semaphore, #tpu.memory_space<semaphore_mem>> -> memref<!tpu.dma_semaphore, #tpu.memory_space<semaphore_mem>>
    tpu.enqueue_indirect_dma source(%dma_start3A_21 : memref<1000000x128xf32, #tpu.memory_space<hbm>>) target(%dma_start3A_15 : memref<128x128xf32, #tpu.memory_space<vmem>>) offsets(%dma_start3A_18 : memref<128xi32, #tpu.memory_space<vmem>>) semaphore(%dma_start3A_23 : memref<!tpu.dma_semaphore, #tpu.memory_space<semaphore_mem>>)
    %dma_start3A_24 = arith.constant 0 : i32
    %dma_start3A_25 = arith.constant 0 : i32
    %dma_start3A_26 = arith.constant 0 : i32
    %dma_start3A_27 = arith.constant 128 : i32
    %dma_start3A_28 = arith.constant 0 : i32
    %dma_start3A_29 = tpu.memref_slice %arg6[%dma_start3A_25, %dma_start3A_27, %dma_start3A_28] : memref<4x200x128xf32, #tpu.memory_space<vmem>> -> memref<1x72x128xf32, #tpu.memory_space<vmem>>
    %dma_start3A_30 = tpu.memref_squeeze %dma_start3A_29 : memref<1x72x128xf32, #tpu.memory_space<vmem>> -> memref<72x128xf32, #tpu.memory_space<vmem>>
    %dma_start3A_31 = arith.constant 128 : i32
    %dma_start3A_32 = tpu.memref_slice %arg5[%dma_start3A_24, %dma_start3A_31] : memref<32x200xi32, #tpu.memory_space<vmem>> -> memref<1x72xi32, #tpu.memory_space<vmem>>
    %dma_start3A_33 = tpu.memref_squeeze %dma_start3A_32 : memref<1x72xi32, #tpu.memory_space<vmem>> -> memref<72xi32, #tpu.memory_space<vmem>>
    %dma_start3A_34 = arith.constant 0 : i32
    %dma_start3A_35 = arith.constant 0 : i32
    %dma_start3A_36 = tpu.memref_slice %arg2[%dma_start3A_34, %dma_start3A_35] : memref<1000000x128xf32, #tpu.memory_space<hbm>> -> memref<1000000x128xf32, #tpu.memory_space<hbm>>
    %dma_start3A_37 = tpu.memref_slice %arg8[%dma_start3A_26] : memref<4x!tpu.dma_semaphore, #tpu.memory_space<semaphore_mem>> -> memref<1x!tpu.dma_semaphore, #tpu.memory_space<semaphore_mem>>
    %dma_start3A_38 = tpu.memref_squeeze %dma_start3A_37 : memref<1x!tpu.dma_semaphore, #tpu.memory_space<semaphore_mem>> -> memref<!tpu.dma_semaphore, #tpu.memory_space<semaphore_mem>>
    tpu.enqueue_indirect_dma source(%dma_start3A_36 : memref<1000000x128xf32, #tpu.memory_space<hbm>>) target(%dma_start3A_30 : memref<72x128xf32, #tpu.memory_space<vmem>>) offsets(%dma_start3A_33 : memref<72xi32, #tpu.memory_space<vmem>>) semaphore(%dma_start3A_38 : memref<!tpu.dma_semaphore, #tpu.memory_space<semaphore_mem>>)
    %dma_start3A_39 = arith.constant 1 : i32
    %dma_start3A_40 = arith.constant 1 : i32
    %dma_start3A_41 = arith.constant 1 : i32
    %dma_start3A_42 = arith.constant 0 : i32
    %dma_start3A_43 = arith.constant 0 : i32
    %dma_start3A_44 = tpu.memref_slice %arg6[%dma_start3A_40, %dma_start3A_42, %dma_start3A_43] : memref<4x200x128xf32, #tpu.memory_space<vmem>> -> memref<1x128x128xf32, #tpu.memory_space<vmem>>
    %dma_start3A_45 = tpu.memref_squeeze %dma_start3A_44 : memref<1x128x128xf32, #tpu.memory_space<vmem>> -> memref<128x128xf32, #tpu.memory_space<vmem>>
    %dma_start3A_46 = arith.constant 0 : i32
    %dma_start3A_47 = tpu.memref_slice %arg5[%dma_start3A_39, %dma_start3A_46] : memref<32x200xi32, #tpu.memory_space<vmem>> -> memref<1x128xi32, #tpu.memory_space<vmem>>
    %dma_start3A_48 = tpu.memref_squeeze %dma_start3A_47 : memref<1x128xi32, #tpu.memory_space<vmem>> -> memref<128xi32, #tpu.memory_space<vmem>>
    %dma_start3A_49 = arith.constant 0 : i32
    %dma_start3A_50 = arith.constant 0 : i32
    %dma_start3A_51 = tpu.memref_slice %arg2[%dma_start3A_49, %dma_start3A_50] : memref<1000000x128xf32, #tpu.memory_space<hbm>> -> memref<1000000x128xf32, #tpu.memory_space<hbm>>
    %dma_start3A_52 = tpu.memref_slice %arg8[%dma_start3A_41] : memref<4x!tpu.dma_semaphore, #tpu.memory_space<semaphore_mem>> -> memref<1x!tpu.dma_semaphore, #tpu.memory_space<semaphore_mem>>
    %dma_start3A_53 = tpu.memref_squeeze %dma_start3A_52 : memref<1x!tpu.dma_semaphore, #tpu.memory_space<semaphore_mem>> -> memref<!tpu.dma_semaphore, #tpu.memory_space<semaphore_mem>>
    tpu.enqueue_indirect_dma source(%dma_start3A_51 : memref<1000000x128xf32, #tpu.memory_space<hbm>>) target(%dma_start3A_45 : memref<128x128xf32, #tpu.memory_space<vmem>>) offsets(%dma_start3A_48 : memref<128xi32, #tpu.memory_space<vmem>>) semaphore(%dma_start3A_53 : memref<!tpu.dma_semaphore, #tpu.memory_space<semaphore_mem>>)
    %dma_start3A_54 = arith.constant 1 : i32
    %dma_start3A_55 = arith.constant 1 : i32
    %dma_start3A_56 = arith.constant 1 : i32
    %dma_start3A_57 = arith.constant 128 : i32
    %dma_start3A_58 = arith.constant 0 : i32
    %dma_start3A_59 = tpu.memref_slice %arg6[%dma_start3A_55, %dma_start3A_57, %dma_start3A_58] : memref<4x200x128xf32, #tpu.memory_space<vmem>> -> memref<1x72x128xf32, #tpu.memory_space<vmem>>
    %dma_start3A_60 = tpu.memref_squeeze %dma_start3A_59 : memref<1x72x128xf32, #tpu.memory_space<vmem>> -> memref<72x128xf32, #tpu.memory_space<vmem>>
    %dma_start3A_61 = arith.constant 128 : i32
    %dma_start3A_62 = tpu.memref_slice %arg5[%dma_start3A_54, %dma_start3A_61] : memref<32x200xi32, #tpu.memory_space<vmem>> -> memref<1x72xi32, #tpu.memory_space<vmem>>
    %dma_start3A_63 = tpu.memref_squeeze %dma_start3A_62 : memref<1x72xi32, #tpu.memory_space<vmem>> -> memref<72xi32, #tpu.memory_space<vmem>>
    %dma_start3A_64 = arith.constant 0 : i32
    %dma_start3A_65 = arith.constant 0 : i32
    %dma_start3A_66 = tpu.memref_slice %arg2[%dma_start3A_64, %dma_start3A_65] : memref<1000000x128xf32, #tpu.memory_space<hbm>> -> memref<1000000x128xf32, #tpu.memory_space<hbm>>
    %dma_start3A_67 = tpu.memref_slice %arg8[%dma_start3A_56] : memref<4x!tpu.dma_semaphore, #tpu.memory_space<semaphore_mem>> -> memref<1x!tpu.dma_semaphore, #tpu.memory_space<semaphore_mem>>
    %dma_start3A_68 = tpu.memref_squeeze %dma_start3A_67 : memref<1x!tpu.dma_semaphore, #tpu.memory_space<semaphore_mem>> -> memref<!tpu.dma_semaphore, #tpu.memory_space<semaphore_mem>>
    tpu.enqueue_indirect_dma source(%dma_start3A_66 : memref<1000000x128xf32, #tpu.memory_space<hbm>>) target(%dma_start3A_60 : memref<72x128xf32, #tpu.memory_space<vmem>>) offsets(%dma_start3A_63 : memref<72xi32, #tpu.memory_space<vmem>>) semaphore(%dma_start3A_68 : memref<!tpu.dma_semaphore, #tpu.memory_space<semaphore_mem>>)
    %dma_start3A_69 = arith.constant 2 : i32
    %dma_start3A_70 = arith.constant 2 : i32
    %dma_start3A_71 = arith.constant 2 : i32
    %dma_start3A_72 = arith.constant 0 : i32
    %dma_start3A_73 = arith.constant 0 : i32
    %dma_start3A_74 = tpu.memref_slice %arg6[%dma_start3A_70, %dma_start3A_72, %dma_start3A_73] : memref<4x200x128xf32, #tpu.memory_space<vmem>> -> memref<1x128x128xf32, #tpu.memory_space<vmem>>
    %dma_start3A_75 = tpu.memref_squeeze %dma_start3A_74 : memref<1x128x128xf32, #tpu.memory_space<vmem>> -> memref<128x128xf32, #tpu.memory_space<vmem>>
    %dma_start3A_76 = arith.constant 0 : i32
    %dma_start3A_77 = tpu.memref_slice %arg5[%dma_start3A_69, %dma_start3A_76] : memref<32x200xi32, #tpu.memory_space<vmem>> -> memref<1x128xi32, #tpu.memory_space<vmem>>
    %dma_start3A_78 = tpu.memref_squeeze %dma_start3A_77 : memref<1x128xi32, #tpu.memory_space<vmem>> -> memref<128xi32, #tpu.memory_space<vmem>>
    %dma_start3A_79 = arith.constant 0 : i32
    %dma_start3A_80 = arith.constant 0 : i32
    %dma_start3A_81 = tpu.memref_slice %arg2[%dma_start3A_79, %dma_start3A_80] : memref<1000000x128xf32, #tpu.memory_space<hbm>> -> memref<1000000x128xf32, #tpu.memory_space<hbm>>
    %dma_start3A_82 = tpu.memref_slice %arg8[%dma_start3A_71] : memref<4x!tpu.dma_semaphore, #tpu.memory_space<semaphore_mem>> -> memref<1x!tpu.dma_semaphore, #tpu.memory_space<semaphore_mem>>
    %dma_start3A_83 = tpu.memref_squeeze %dma_start3A_82 : memref<1x!tpu.dma_semaphore, #tpu.memory_space<semaphore_mem>> -> memref<!tpu.dma_semaphore, #tpu.memory_space<semaphore_mem>>
    tpu.enqueue_indirect_dma source(%dma_start3A_81 : memref<1000000x128xf32, #tpu.memory_space<hbm>>) target(%dma_start3A_75 : memref<128x128xf32, #tpu.memory_space<vmem>>) offsets(%dma_start3A_78 : memref<128xi32, #tpu.memory_space<vmem>>) semaphore(%dma_start3A_83 : memref<!tpu.dma_semaphore, #tpu.memory_space<semaphore_mem>>)
    %dma_start3A_84 = arith.constant 2 : i32
    %dma_start3A_85 = arith.constant 2 : i32
    %dma_start3A_86 = arith.constant 2 : i32
    %dma_start3A_87 = arith.constant 128 : i32
    %dma_start3A_88 = arith.constant 0 : i32
    %dma_start3A_89 = tpu.memref_slice %arg6[%dma_start3A_85, %dma_start3A_87, %dma_start3A_88] : memref<4x200x128xf32, #tpu.memory_space<vmem>> -> memref<1x72x128xf32, #tpu.memory_space<vmem>>
    %dma_start3A_90 = tpu.memref_squeeze %dma_start3A_89 : memref<1x72x128xf32, #tpu.memory_space<vmem>> -> memref<72x128xf32, #tpu.memory_space<vmem>>
    %dma_start3A_91 = arith.constant 128 : i32
    %dma_start3A_92 = tpu.memref_slice %arg5[%dma_start3A_84, %dma_start3A_91] : memref<32x200xi32, #tpu.memory_space<vmem>> -> memref<1x72xi32, #tpu.memory_space<vmem>>
    %dma_start3A_93 = tpu.memref_squeeze %dma_start3A_92 : memref<1x72xi32, #tpu.memory_space<vmem>> -> memref<72xi32, #tpu.memory_space<vmem>>
    %dma_start3A_94 = arith.constant 0 : i32
    %dma_start3A_95 = arith.constant 0 : i32
    %dma_start3A_96 = tpu.memref_slice %arg2[%dma_start3A_94, %dma_start3A_95] : memref<1000000x128xf32, #tpu.memory_space<hbm>> -> memref<1000000x128xf32, #tpu.memory_space<hbm>>
    %dma_start3A_97 = tpu.memref_slice %arg8[%dma_start3A_86] : memref<4x!tpu.dma_semaphore, #tpu.memory_space<semaphore_mem>> -> memref<1x!tpu.dma_semaphore, #tpu.memory_space<semaphore_mem>>
    %dma_start3A_98 = tpu.memref_squeeze %dma_start3A_97 : memref<1x!tpu.dma_semaphore, #tpu.memory_space<semaphore_mem>> -> memref<!tpu.dma_semaphore, #tpu.memory_space<semaphore_mem>>
    tpu.enqueue_indirect_dma source(%dma_start3A_96 : memref<1000000x128xf32, #tpu.memory_space<hbm>>) target(%dma_start3A_90 : memref<72x128xf32, #tpu.memory_space<vmem>>) offsets(%dma_start3A_93 : memref<72xi32, #tpu.memory_space<vmem>>) semaphore(%dma_start3A_98 : memref<!tpu.dma_semaphore, #tpu.memory_space<semaphore_mem>>)
    %dma_start3A_99 = arith.constant 3 : i32
    %dma_start3A_100 = arith.constant 3 : i32
    %dma_start3A_101 = arith.constant 3 : i32
    %dma_start3A_102 = arith.constant 0 : i32
    %dma_start3A_103 = arith.constant 0 : i32
    %dma_start3A_104 = tpu.memref_slice %arg6[%dma_start3A_100, %dma_start3A_102, %dma_start3A_103] : memref<4x200x128xf32, #tpu.memory_space<vmem>> -> memref<1x128x128xf32, #tpu.memory_space<vmem>>
    %dma_start3A_105 = tpu.memref_squeeze %dma_start3A_104 : memref<1x128x128xf32, #tpu.memory_space<vmem>> -> memref<128x128xf32, #tpu.memory_space<vmem>>
    %dma_start3A_106 = arith.constant 0 : i32
    %dma_start3A_107 = tpu.memref_slice %arg5[%dma_start3A_99, %dma_start3A_106] : memref<32x200xi32, #tpu.memory_space<vmem>> -> memref<1x128xi32, #tpu.memory_space<vmem>>
    %dma_start3A_108 = tpu.memref_squeeze %dma_start3A_107 : memref<1x128xi32, #tpu.memory_space<vmem>> -> memref<128xi32, #tpu.memory_space<vmem>>
    %dma_start3A_109 = arith.constant 0 : i32
    %dma_start3A_110 = arith.constant 0 : i32
    %dma_start3A_111 = tpu.memref_slice %arg2[%dma_start3A_109, %dma_start3A_110] : memref<1000000x128xf32, #tpu.memory_space<hbm>> -> memref<1000000x128xf32, #tpu.memory_space<hbm>>
    %dma_start3A_112 = tpu.memref_slice %arg8[%dma_start3A_101] : memref<4x!tpu.dma_semaphore, #tpu.memory_space<semaphore_mem>> -> memref<1x!tpu.dma_semaphore, #tpu.memory_space<semaphore_mem>>
    %dma_start3A_113 = tpu.memref_squeeze %dma_start3A_112 : memref<1x!tpu.dma_semaphore, #tpu.memory_space<semaphore_mem>> -> memref<!tpu.dma_semaphore, #tpu.memory_space<semaphore_mem>>
    tpu.enqueue_indirect_dma source(%dma_start3A_111 : memref<1000000x128xf32, #tpu.memory_space<hbm>>) target(%dma_start3A_105 : memref<128x128xf32, #tpu.memory_space<vmem>>) offsets(%dma_start3A_108 : memref<128xi32, #tpu.memory_space<vmem>>) semaphore(%dma_start3A_113 : memref<!tpu.dma_semaphore, #tpu.memory_space<semaphore_mem>>)
    %dma_start3A_114 = arith.constant 3 : i32
    %dma_start3A_115 = arith.constant 3 : i32
    %dma_start3A_116 = arith.constant 3 : i32
    %dma_start3A_117 = arith.constant 128 : i32
    %dma_start3A_118 = arith.constant 0 : i32
    %dma_start3A_119 = tpu.memref_slice %arg6[%dma_start3A_115, %dma_start3A_117, %dma_start3A_118] : memref<4x200x128xf32, #tpu.memory_space<vmem>> -> memref<1x72x128xf32, #tpu.memory_space<vmem>>
    %dma_start3A_120 = tpu.memref_squeeze %dma_start3A_119 : memref<1x72x128xf32, #tpu.memory_space<vmem>> -> memref<72x128xf32, #tpu.memory_space<vmem>>
    %dma_start3A_121 = arith.constant 128 : i32
    %dma_start3A_122 = tpu.memref_slice %arg5[%dma_start3A_114, %dma_start3A_121] : memref<32x200xi32, #tpu.memory_space<vmem>> -> memref<1x72xi32, #tpu.memory_space<vmem>>
    %dma_start3A_123 = tpu.memref_squeeze %dma_start3A_122 : memref<1x72xi32, #tpu.memory_space<vmem>> -> memref<72xi32, #tpu.memory_space<vmem>>
    %dma_start3A_124 = arith.constant 0 : i32
    %dma_start3A_125 = arith.constant 0 : i32
    %dma_start3A_126 = tpu.memref_slice %arg2[%dma_start3A_124, %dma_start3A_125] : memref<1000000x128xf32, #tpu.memory_space<hbm>> -> memref<1000000x128xf32, #tpu.memory_space<hbm>>
    %dma_start3A_127 = tpu.memref_slice %arg8[%dma_start3A_116] : memref<4x!tpu.dma_semaphore, #tpu.memory_space<semaphore_mem>> -> memref<1x!tpu.dma_semaphore, #tpu.memory_space<semaphore_mem>>
    %dma_start3A_128 = tpu.memref_squeeze %dma_start3A_127 : memref<1x!tpu.dma_semaphore, #tpu.memory_space<semaphore_mem>> -> memref<!tpu.dma_semaphore, #tpu.memory_space<semaphore_mem>>
    tpu.enqueue_indirect_dma source(%dma_start3A_126 : memref<1000000x128xf32, #tpu.memory_space<hbm>>) target(%dma_start3A_120 : memref<72x128xf32, #tpu.memory_space<vmem>>) offsets(%dma_start3A_123 : memref<72xi32, #tpu.memory_space<vmem>>) semaphore(%dma_start3A_128 : memref<!tpu.dma_semaphore, #tpu.memory_space<semaphore_mem>>)
    %scan3A = arith.constant 0 : i32
    %scan3A_129 = arith.constant 8 : i32
    %scan3A_130 = arith.addi %scan3A, %scan3A_129 : i32
    %scan3A_131 = arith.constant 1 : i32
    scf.for %scan3A_133 = %scan3A to %scan3A_130 step %scan3A_131  : i32 {
      %mul3A_134 = arith.constant 4 : i32
      %mul3A_135 = arith.muli %scan3A_133, %mul3A_134 : i32
      %add3A_136 = arith.constant 0 : i32
      %add3A_137 = arith.addi %add3A_136, %mul3A_135 : i32
      %add3A_138 = arith.constant 0 : i32
      %add3A_139 = arith.addi %add3A_137, %add3A_138 : i32
      %dma_wait3A_140 = arith.constant 0 : i32
      %dma_wait3A_141 = arith.constant 0 : i32
      %dma_wait3A_142 = arith.constant 0 : i32
      %dma_wait3A_143 = arith.constant 0 : i32
      %dma_wait3A_144 = tpu.memref_slice %arg6[%dma_wait3A_140, %dma_wait3A_142, %dma_wait3A_143] : memref<4x200x128xf32, #tpu.memory_space<vmem>> -> memref<1x128x128xf32, #tpu.memory_space<vmem>>
      %dma_wait3A_145 = tpu.memref_squeeze %dma_wait3A_144 : memref<1x128x128xf32, #tpu.memory_space<vmem>> -> memref<128x128xf32, #tpu.memory_space<vmem>>
      %dma_wait3A_146 = arith.constant 0 : i32
      %dma_wait3A_147 = tpu.memref_slice %arg5[%add3A_139, %dma_wait3A_146] : memref<32x200xi32, #tpu.memory_space<vmem>> -> memref<1x128xi32, #tpu.memory_space<vmem>>
      %dma_wait3A_148 = tpu.memref_squeeze %dma_wait3A_147 : memref<1x128xi32, #tpu.memory_space<vmem>> -> memref<128xi32, #tpu.memory_space<vmem>>
      %dma_wait3A_149 = arith.constant 0 : i32
      %dma_wait3A_150 = arith.constant 0 : i32
      %dma_wait3A_151 = tpu.memref_slice %arg2[%dma_wait3A_149, %dma_wait3A_150] : memref<1000000x128xf32, #tpu.memory_space<hbm>> -> memref<1000000x128xf32, #tpu.memory_space<hbm>>
      %dma_wait3A_152 = tpu.memref_slice %arg8[%dma_wait3A_141] : memref<4x!tpu.dma_semaphore, #tpu.memory_space<semaphore_mem>> -> memref<1x!tpu.dma_semaphore, #tpu.memory_space<semaphore_mem>>
      %dma_wait3A_153 = tpu.memref_squeeze %dma_wait3A_152 : memref<1x!tpu.dma_semaphore, #tpu.memory_space<semaphore_mem>> -> memref<!tpu.dma_semaphore, #tpu.memory_space<semaphore_mem>>
      tpu.wait_indirect_dma semaphore(%dma_wait3A_153 : memref<!tpu.dma_semaphore, #tpu.memory_space<semaphore_mem>>) src(%dma_wait3A_151 : memref<1000000x128xf32, #tpu.memory_space<hbm>>) dst(%dma_wait3A_145 : memref<128x128xf32, #tpu.memory_space<vmem>>)
      %dma_wait3A_154 = arith.constant 0 : i32
      %dma_wait3A_155 = arith.constant 0 : i32
      %dma_wait3A_156 = arith.constant 128 : i32
      %dma_wait3A_157 = arith.constant 0 : i32
      %dma_wait3A_158 = tpu.memref_slice %arg6[%dma_wait3A_154, %dma_wait3A_156, %dma_wait3A_157] : memref<4x200x128xf32, #tpu.memory_space<vmem>> -> memref<1x72x128xf32, #tpu.memory_space<vmem>>
      %dma_wait3A_159 = tpu.memref_squeeze %dma_wait3A_158 : memref<1x72x128xf32, #tpu.memory_space<vmem>> -> memref<72x128xf32, #tpu.memory_space<vmem>>
      %dma_wait3A_160 = arith.constant 128 : i32
      %dma_wait3A_161 = tpu.memref_slice %arg5[%add3A_139, %dma_wait3A_160] : memref<32x200xi32, #tpu.memory_space<vmem>> -> memref<1x72xi32, #tpu.memory_space<vmem>>
      %dma_wait3A_162 = tpu.memref_squeeze %dma_wait3A_161 : memref<1x72xi32, #tpu.memory_space<vmem>> -> memref<72xi32, #tpu.memory_space<vmem>>
      %dma_wait3A_163 = arith.constant 0 : i32
      %dma_wait3A_164 = arith.constant 0 : i32
      %dma_wait3A_165 = tpu.memref_slice %arg2[%dma_wait3A_163, %dma_wait3A_164] : memref<1000000x128xf32, #tpu.memory_space<hbm>> -> memref<1000000x128xf32, #tpu.memory_space<hbm>>
      %dma_wait3A_166 = tpu.memref_slice %arg8[%dma_wait3A_155] : memref<4x!tpu.dma_semaphore, #tpu.memory_space<semaphore_mem>> -> memref<1x!tpu.dma_semaphore, #tpu.memory_space<semaphore_mem>>
      %dma_wait3A_167 = tpu.memref_squeeze %dma_wait3A_166 : memref<1x!tpu.dma_semaphore, #tpu.memory_space<semaphore_mem>> -> memref<!tpu.dma_semaphore, #tpu.memory_space<semaphore_mem>>
      tpu.wait_indirect_dma semaphore(%dma_wait3A_167 : memref<!tpu.dma_semaphore, #tpu.memory_space<semaphore_mem>>) src(%dma_wait3A_165 : memref<1000000x128xf32, #tpu.memory_space<hbm>>) dst(%dma_wait3A_159 : memref<72x128xf32, #tpu.memory_space<vmem>>)
      %add3A_168 = arith.addi %mul3A_2, %add3A_139 : i32
      %dma_start3A_169 = arith.constant 0 : i32
      %dma_start3A_170 = arith.constant 0 : i32
      %dma_start3A_171 = arith.constant 0 : i32
      %dma_start3A_172 = arith.constant 0 : i32
      %dma_start3A_173 = tpu.memref_slice %arg6[%dma_start3A_169, %dma_start3A_171, %dma_start3A_172] : memref<4x200x128xf32, #tpu.memory_space<vmem>> -> memref<1x200x64xf32, #tpu.memory_space<vmem>>
      %dma_start3A_174 = tpu.memref_squeeze %dma_start3A_173 : memref<1x200x64xf32, #tpu.memory_space<vmem>> -> memref<200x64xf32, #tpu.memory_space<vmem>>
      %dma_start3A_175 = arith.constant 0 : i32
      %dma_start3A_176 = arith.constant 0 : i32
      %dma_start3A_177 = tpu.memref_slice %arg4[%add3A_168, %dma_start3A_175, %dma_start3A_176] : memref<1024x200x64xf32, #tpu.memory_space<hbm>> -> memref<1x200x64xf32, #tpu.memory_space<hbm>>
      %dma_start3A_178 = tpu.memref_squeeze %dma_start3A_177 : memref<1x200x64xf32, #tpu.memory_space<hbm>> -> memref<200x64xf32, #tpu.memory_space<hbm>>
      %dma_start3A_179 = tpu.memref_slice %arg9[%dma_start3A_170] : memref<4x!tpu.dma_semaphore, #tpu.memory_space<semaphore_mem>> -> memref<1x!tpu.dma_semaphore, #tpu.memory_space<semaphore_mem>>
      %dma_start3A_180 = tpu.memref_squeeze %dma_start3A_179 : memref<1x!tpu.dma_semaphore, #tpu.memory_space<semaphore_mem>> -> memref<!tpu.dma_semaphore, #tpu.memory_space<semaphore_mem>>
      %dma_start3A_181 = arith.constant 0 : i32
      %dma_start3A_182 = arith.constant 0 : i32
      %dma_start3A_183 = tpu.memref_slice %arg4[%add3A_168, %dma_start3A_181, %dma_start3A_182] : memref<1024x200x64xf32, #tpu.memory_space<hbm>> -> memref<1x200x64xf32, #tpu.memory_space<hbm>>
      %dma_start3A_184 = tpu.memref_squeeze %dma_start3A_183 : memref<1x200x64xf32, #tpu.memory_space<hbm>> -> memref<200x64xf32, #tpu.memory_space<hbm>>
      %dma_start3A_185 = arith.constant 0 : i32
      %dma_start3A_186 = arith.constant 0 : i32
      %dma_start3A_187 = tpu.memref_slice %arg6[%dma_start3A_169, %dma_start3A_185, %dma_start3A_186] : memref<4x200x128xf32, #tpu.memory_space<vmem>> -> memref<1x200x64xf32, #tpu.memory_space<vmem>>
      %dma_start3A_188 = tpu.memref_squeeze %dma_start3A_187 : memref<1x200x64xf32, #tpu.memory_space<vmem>> -> memref<200x64xf32, #tpu.memory_space<vmem>>
      tpu.enqueue_dma source(%dma_start3A_188 : memref<200x64xf32, #tpu.memory_space<vmem>>) target(%dma_start3A_184 : memref<200x64xf32, #tpu.memory_space<hbm>>) target_semaphore(%dma_start3A_180 : memref<!tpu.dma_semaphore, #tpu.memory_space<semaphore_mem>>)
      %dma_wait3A_189 = arith.constant 0 : i32
      %dma_wait3A_190 = arith.constant 0 : i32
      %dma_wait3A_191 = arith.constant 0 : i32
      %dma_wait3A_192 = arith.constant 0 : i32
      %dma_wait3A_193 = tpu.memref_slice %arg6[%dma_wait3A_189, %dma_wait3A_191, %dma_wait3A_192] : memref<4x200x128xf32, #tpu.memory_space<vmem>> -> memref<1x200x64xf32, #tpu.memory_space<vmem>>
      %dma_wait3A_194 = tpu.memref_squeeze %dma_wait3A_193 : memref<1x200x64xf32, #tpu.memory_space<vmem>> -> memref<200x64xf32, #tpu.memory_space<vmem>>
      %dma_wait3A_195 = arith.constant 0 : i32
      %dma_wait3A_196 = arith.constant 0 : i32
      %dma_wait3A_197 = tpu.memref_slice %arg4[%add3A_168, %dma_wait3A_195, %dma_wait3A_196] : memref<1024x200x64xf32, #tpu.memory_space<hbm>> -> memref<1x200x64xf32, #tpu.memory_space<hbm>>
      %dma_wait3A_198 = tpu.memref_squeeze %dma_wait3A_197 : memref<1x200x64xf32, #tpu.memory_space<hbm>> -> memref<200x64xf32, #tpu.memory_space<hbm>>
      %dma_wait3A_199 = tpu.memref_slice %arg9[%dma_wait3A_190] : memref<4x!tpu.dma_semaphore, #tpu.memory_space<semaphore_mem>> -> memref<1x!tpu.dma_semaphore, #tpu.memory_space<semaphore_mem>>
      %dma_wait3A_200 = tpu.memref_squeeze %dma_wait3A_199 : memref<1x!tpu.dma_semaphore, #tpu.memory_space<semaphore_mem>> -> memref<!tpu.dma_semaphore, #tpu.memory_space<semaphore_mem>>
      %dma_wait3A_201 = arith.constant 0 : i32
      %dma_wait3A_202 = arith.constant 0 : i32
      %dma_wait3A_203 = tpu.memref_slice %arg4[%add3A_168, %dma_wait3A_201, %dma_wait3A_202] : memref<1024x200x64xf32, #tpu.memory_space<hbm>> -> memref<1x200x64xf32, #tpu.memory_space<hbm>>
      %dma_wait3A_204 = tpu.memref_squeeze %dma_wait3A_203 : memref<1x200x64xf32, #tpu.memory_space<hbm>> -> memref<200x64xf32, #tpu.memory_space<hbm>>
      %dma_wait3A_205 = arith.constant 0 : i32
      %dma_wait3A_206 = arith.constant 0 : i32
      %dma_wait3A_207 = tpu.memref_slice %arg6[%dma_wait3A_189, %dma_wait3A_205, %dma_wait3A_206] : memref<4x200x128xf32, #tpu.memory_space<vmem>> -> memref<1x200x64xf32, #tpu.memory_space<vmem>>
      %dma_wait3A_208 = tpu.memref_squeeze %dma_wait3A_207 : memref<1x200x64xf32, #tpu.memory_space<vmem>> -> memref<200x64xf32, #tpu.memory_space<vmem>>
      tpu.wait_dma2 semaphore(%dma_wait3A_200 : memref<!tpu.dma_semaphore, #tpu.memory_space<semaphore_mem>>) src(%dma_wait3A_208 : memref<200x64xf32, #tpu.memory_space<vmem>>) dst(%dma_wait3A_204 : memref<200x64xf32, #tpu.memory_space<hbm>>)
      %add3A_209 = arith.constant 4 : i32
      %add3A_210 = arith.addi %add3A_139, %add3A_209 : i32
      %lt3A = arith.constant 32 : i32
      %lt3A_211 = arith.cmpi slt, %add3A_210, %lt3A : i32
      %convert_element_type3A = arith.extui %lt3A_211 : i1 to i32
      %cond3A = arith.constant 0 : i32
      %cond3A_212 = arith.cmpi ne, %convert_element_type3A, %cond3A : i32
      scf.if %cond3A_212 {
        %add3A_447 = arith.constant 4 : i32
        %add3A_448 = arith.addi %add3A_139, %add3A_447 : i32
        %dma_start3A_449 = arith.constant 0 : i32
        %dma_start3A_450 = arith.constant 0 : i32
        %dma_start3A_451 = arith.constant 0 : i32
        %dma_start3A_452 = arith.constant 0 : i32
        %dma_start3A_453 = tpu.memref_slice %arg6[%dma_start3A_449, %dma_start3A_451, %dma_start3A_452] : memref<4x200x128xf32, #tpu.memory_space<vmem>> -> memref<1x128x128xf32, #tpu.memory_space<vmem>>
        %dma_start3A_454 = tpu.memref_squeeze %dma_start3A_453 : memref<1x128x128xf32, #tpu.memory_space<vmem>> -> memref<128x128xf32, #tpu.memory_space<vmem>>
        %dma_start3A_455 = arith.constant 0 : i32
        %dma_start3A_456 = tpu.memref_slice %arg5[%add3A_448, %dma_start3A_455] : memref<32x200xi32, #tpu.memory_space<vmem>> -> memref<1x128xi32, #tpu.memory_space<vmem>>
        %dma_start3A_457 = tpu.memref_squeeze %dma_start3A_456 : memref<1x128xi32, #tpu.memory_space<vmem>> -> memref<128xi32, #tpu.memory_space<vmem>>
        %dma_start3A_458 = arith.constant 0 : i32
        %dma_start3A_459 = arith.constant 0 : i32
        %dma_start3A_460 = tpu.memref_slice %arg2[%dma_start3A_458, %dma_start3A_459] : memref<1000000x128xf32, #tpu.memory_space<hbm>> -> memref<1000000x128xf32, #tpu.memory_space<hbm>>
        %dma_start3A_461 = tpu.memref_slice %arg8[%dma_start3A_450] : memref<4x!tpu.dma_semaphore, #tpu.memory_space<semaphore_mem>> -> memref<1x!tpu.dma_semaphore, #tpu.memory_space<semaphore_mem>>
        %dma_start3A_462 = tpu.memref_squeeze %dma_start3A_461 : memref<1x!tpu.dma_semaphore, #tpu.memory_space<semaphore_mem>> -> memref<!tpu.dma_semaphore, #tpu.memory_space<semaphore_mem>>
        tpu.enqueue_indirect_dma source(%dma_start3A_460 : memref<1000000x128xf32, #tpu.memory_space<hbm>>) target(%dma_start3A_454 : memref<128x128xf32, #tpu.memory_space<vmem>>) offsets(%dma_start3A_457 : memref<128xi32, #tpu.memory_space<vmem>>) semaphore(%dma_start3A_462 : memref<!tpu.dma_semaphore, #tpu.memory_space<semaphore_mem>>)
        %dma_start3A_463 = arith.constant 0 : i32
        %dma_start3A_464 = arith.constant 0 : i32
        %dma_start3A_465 = arith.constant 128 : i32
        %dma_start3A_466 = arith.constant 0 : i32
        %dma_start3A_467 = tpu.memref_slice %arg6[%dma_start3A_463, %dma_start3A_465, %dma_start3A_466] : memref<4x200x128xf32, #tpu.memory_space<vmem>> -> memref<1x72x128xf32, #tpu.memory_space<vmem>>
        %dma_start3A_468 = tpu.memref_squeeze %dma_start3A_467 : memref<1x72x128xf32, #tpu.memory_space<vmem>> -> memref<72x128xf32, #tpu.memory_space<vmem>>
        %dma_start3A_469 = arith.constant 128 : i32
        %dma_start3A_470 = tpu.memref_slice %arg5[%add3A_448, %dma_start3A_469] : memref<32x200xi32, #tpu.memory_space<vmem>> -> memref<1x72xi32, #tpu.memory_space<vmem>>
        %dma_start3A_471 = tpu.memref_squeeze %dma_start3A_470 : memref<1x72xi32, #tpu.memory_space<vmem>> -> memref<72xi32, #tpu.memory_space<vmem>>
        %dma_start3A_472 = arith.constant 0 : i32
        %dma_start3A_473 = arith.constant 0 : i32
        %dma_start3A_474 = tpu.memref_slice %arg2[%dma_start3A_472, %dma_start3A_473] : memref<1000000x128xf32, #tpu.memory_space<hbm>> -> memref<1000000x128xf32, #tpu.memory_space<hbm>>
        %dma_start3A_475 = tpu.memref_slice %arg8[%dma_start3A_464] : memref<4x!tpu.dma_semaphore, #tpu.memory_space<semaphore_mem>> -> memref<1x!tpu.dma_semaphore, #tpu.memory_space<semaphore_mem>>
        %dma_start3A_476 = tpu.memref_squeeze %dma_start3A_475 : memref<1x!tpu.dma_semaphore, #tpu.memory_space<semaphore_mem>> -> memref<!tpu.dma_semaphore, #tpu.memory_space<semaphore_mem>>
        tpu.enqueue_indirect_dma source(%dma_start3A_474 : memref<1000000x128xf32, #tpu.memory_space<hbm>>) target(%dma_start3A_468 : memref<72x128xf32, #tpu.memory_space<vmem>>) offsets(%dma_start3A_471 : memref<72xi32, #tpu.memory_space<vmem>>) semaphore(%dma_start3A_476 : memref<!tpu.dma_semaphore, #tpu.memory_space<semaphore_mem>>)
      } else {
      }
      %add3A_213 = arith.constant 1 : i32
      %add3A_214 = arith.addi %add3A_137, %add3A_213 : i32
      %dma_wait3A_215 = arith.constant 1 : i32
      %dma_wait3A_216 = arith.constant 1 : i32
      %dma_wait3A_217 = arith.constant 0 : i32
      %dma_wait3A_218 = arith.constant 0 : i32
      %dma_wait3A_219 = tpu.memref_slice %arg6[%dma_wait3A_215, %dma_wait3A_217, %dma_wait3A_218] : memref<4x200x128xf32, #tpu.memory_space<vmem>> -> memref<1x128x128xf32, #tpu.memory_space<vmem>>
      %dma_wait3A_220 = tpu.memref_squeeze %dma_wait3A_219 : memref<1x128x128xf32, #tpu.memory_space<vmem>> -> memref<128x128xf32, #tpu.memory_space<vmem>>
      %dma_wait3A_221 = arith.constant 0 : i32
      %dma_wait3A_222 = tpu.memref_slice %arg5[%add3A_214, %dma_wait3A_221] : memref<32x200xi32, #tpu.memory_space<vmem>> -> memref<1x128xi32, #tpu.memory_space<vmem>>
      %dma_wait3A_223 = tpu.memref_squeeze %dma_wait3A_222 : memref<1x128xi32, #tpu.memory_space<vmem>> -> memref<128xi32, #tpu.memory_space<vmem>>
      %dma_wait3A_224 = arith.constant 0 : i32
      %dma_wait3A_225 = arith.constant 0 : i32
      %dma_wait3A_226 = tpu.memref_slice %arg2[%dma_wait3A_224, %dma_wait3A_225] : memref<1000000x128xf32, #tpu.memory_space<hbm>> -> memref<1000000x128xf32, #tpu.memory_space<hbm>>
      %dma_wait3A_227 = tpu.memref_slice %arg8[%dma_wait3A_216] : memref<4x!tpu.dma_semaphore, #tpu.memory_space<semaphore_mem>> -> memref<1x!tpu.dma_semaphore, #tpu.memory_space<semaphore_mem>>
      %dma_wait3A_228 = tpu.memref_squeeze %dma_wait3A_227 : memref<1x!tpu.dma_semaphore, #tpu.memory_space<semaphore_mem>> -> memref<!tpu.dma_semaphore, #tpu.memory_space<semaphore_mem>>
      tpu.wait_indirect_dma semaphore(%dma_wait3A_228 : memref<!tpu.dma_semaphore, #tpu.memory_space<semaphore_mem>>) src(%dma_wait3A_226 : memref<1000000x128xf32, #tpu.memory_space<hbm>>) dst(%dma_wait3A_220 : memref<128x128xf32, #tpu.memory_space<vmem>>)
      %dma_wait3A_229 = arith.constant 1 : i32
      %dma_wait3A_230 = arith.constant 1 : i32
      %dma_wait3A_231 = arith.constant 128 : i32
      %dma_wait3A_232 = arith.constant 0 : i32
      %dma_wait3A_233 = tpu.memref_slice %arg6[%dma_wait3A_229, %dma_wait3A_231, %dma_wait3A_232] : memref<4x200x128xf32, #tpu.memory_space<vmem>> -> memref<1x72x128xf32, #tpu.memory_space<vmem>>
      %dma_wait3A_234 = tpu.memref_squeeze %dma_wait3A_233 : memref<1x72x128xf32, #tpu.memory_space<vmem>> -> memref<72x128xf32, #tpu.memory_space<vmem>>
      %dma_wait3A_235 = arith.constant 128 : i32
      %dma_wait3A_236 = tpu.memref_slice %arg5[%add3A_214, %dma_wait3A_235] : memref<32x200xi32, #tpu.memory_space<vmem>> -> memref<1x72xi32, #tpu.memory_space<vmem>>
      %dma_wait3A_237 = tpu.memref_squeeze %dma_wait3A_236 : memref<1x72xi32, #tpu.memory_space<vmem>> -> memref<72xi32, #tpu.memory_space<vmem>>
      %dma_wait3A_238 = arith.constant 0 : i32
      %dma_wait3A_239 = arith.constant 0 : i32
      %dma_wait3A_240 = tpu.memref_slice %arg2[%dma_wait3A_238, %dma_wait3A_239] : memref<1000000x128xf32, #tpu.memory_space<hbm>> -> memref<1000000x128xf32, #tpu.memory_space<hbm>>
      %dma_wait3A_241 = tpu.memref_slice %arg8[%dma_wait3A_230] : memref<4x!tpu.dma_semaphore, #tpu.memory_space<semaphore_mem>> -> memref<1x!tpu.dma_semaphore, #tpu.memory_space<semaphore_mem>>
      %dma_wait3A_242 = tpu.memref_squeeze %dma_wait3A_241 : memref<1x!tpu.dma_semaphore, #tpu.memory_space<semaphore_mem>> -> memref<!tpu.dma_semaphore, #tpu.memory_space<semaphore_mem>>
      tpu.wait_indirect_dma semaphore(%dma_wait3A_242 : memref<!tpu.dma_semaphore, #tpu.memory_space<semaphore_mem>>) src(%dma_wait3A_240 : memref<1000000x128xf32, #tpu.memory_space<hbm>>) dst(%dma_wait3A_234 : memref<72x128xf32, #tpu.memory_space<vmem>>)
      %add3A_243 = arith.addi %mul3A_2, %add3A_214 : i32
      %dma_start3A_244 = arith.constant 1 : i32
      %dma_start3A_245 = arith.constant 1 : i32
      %dma_start3A_246 = arith.constant 0 : i32
      %dma_start3A_247 = arith.constant 0 : i32
      %dma_start3A_248 = tpu.memref_slice %arg6[%dma_start3A_244, %dma_start3A_246, %dma_start3A_247] : memref<4x200x128xf32, #tpu.memory_space<vmem>> -> memref<1x200x64xf32, #tpu.memory_space<vmem>>
      %dma_start3A_249 = tpu.memref_squeeze %dma_start3A_248 : memref<1x200x64xf32, #tpu.memory_space<vmem>> -> memref<200x64xf32, #tpu.memory_space<vmem>>
      %dma_start3A_250 = arith.constant 0 : i32
      %dma_start3A_251 = arith.constant 0 : i32
      %dma_start3A_252 = tpu.memref_slice %arg4[%add3A_243, %dma_start3A_250, %dma_start3A_251] : memref<1024x200x64xf32, #tpu.memory_space<hbm>> -> memref<1x200x64xf32, #tpu.memory_space<hbm>>
      %dma_start3A_253 = tpu.memref_squeeze %dma_start3A_252 : memref<1x200x64xf32, #tpu.memory_space<hbm>> -> memref<200x64xf32, #tpu.memory_space<hbm>>
      %dma_start3A_254 = tpu.memref_slice %arg9[%dma_start3A_245] : memref<4x!tpu.dma_semaphore, #tpu.memory_space<semaphore_mem>> -> memref<1x!tpu.dma_semaphore, #tpu.memory_space<semaphore_mem>>
      %dma_start3A_255 = tpu.memref_squeeze %dma_start3A_254 : memref<1x!tpu.dma_semaphore, #tpu.memory_space<semaphore_mem>> -> memref<!tpu.dma_semaphore, #tpu.memory_space<semaphore_mem>>
      %dma_start3A_256 = arith.constant 0 : i32
      %dma_start3A_257 = arith.constant 0 : i32
      %dma_start3A_258 = tpu.memref_slice %arg4[%add3A_243, %dma_start3A_256, %dma_start3A_257] : memref<1024x200x64xf32, #tpu.memory_space<hbm>> -> memref<1x200x64xf32, #tpu.memory_space<hbm>>
      %dma_start3A_259 = tpu.memref_squeeze %dma_start3A_258 : memref<1x200x64xf32, #tpu.memory_space<hbm>> -> memref<200x64xf32, #tpu.memory_space<hbm>>
      %dma_start3A_260 = arith.constant 0 : i32
      %dma_start3A_261 = arith.constant 0 : i32
      %dma_start3A_262 = tpu.memref_slice %arg6[%dma_start3A_244, %dma_start3A_260, %dma_start3A_261] : memref<4x200x128xf32, #tpu.memory_space<vmem>> -> memref<1x200x64xf32, #tpu.memory_space<vmem>>
      %dma_start3A_263 = tpu.memref_squeeze %dma_start3A_262 : memref<1x200x64xf32, #tpu.memory_space<vmem>> -> memref<200x64xf32, #tpu.memory_space<vmem>>
      tpu.enqueue_dma source(%dma_start3A_263 : memref<200x64xf32, #tpu.memory_space<vmem>>) target(%dma_start3A_259 : memref<200x64xf32, #tpu.memory_space<hbm>>) target_semaphore(%dma_start3A_255 : memref<!tpu.dma_semaphore, #tpu.memory_space<semaphore_mem>>)
      %dma_wait3A_264 = arith.constant 1 : i32
      %dma_wait3A_265 = arith.constant 1 : i32
      %dma_wait3A_266 = arith.constant 0 : i32
      %dma_wait3A_267 = arith.constant 0 : i32
      %dma_wait3A_268 = tpu.memref_slice %arg6[%dma_wait3A_264, %dma_wait3A_266, %dma_wait3A_267] : memref<4x200x128xf32, #tpu.memory_space<vmem>> -> memref<1x200x64xf32, #tpu.memory_space<vmem>>
      %dma_wait3A_269 = tpu.memref_squeeze %dma_wait3A_268 : memref<1x200x64xf32, #tpu.memory_space<vmem>> -> memref<200x64xf32, #tpu.memory_space<vmem>>
      %dma_wait3A_270 = arith.constant 0 : i32
      %dma_wait3A_271 = arith.constant 0 : i32
      %dma_wait3A_272 = tpu.memref_slice %arg4[%add3A_243, %dma_wait3A_270, %dma_wait3A_271] : memref<1024x200x64xf32, #tpu.memory_space<hbm>> -> memref<1x200x64xf32, #tpu.memory_space<hbm>>
      %dma_wait3A_273 = tpu.memref_squeeze %dma_wait3A_272 : memref<1x200x64xf32, #tpu.memory_space<hbm>> -> memref<200x64xf32, #tpu.memory_space<hbm>>
      %dma_wait3A_274 = tpu.memref_slice %arg9[%dma_wait3A_265] : memref<4x!tpu.dma_semaphore, #tpu.memory_space<semaphore_mem>> -> memref<1x!tpu.dma_semaphore, #tpu.memory_space<semaphore_mem>>
      %dma_wait3A_275 = tpu.memref_squeeze %dma_wait3A_274 : memref<1x!tpu.dma_semaphore, #tpu.memory_space<semaphore_mem>> -> memref<!tpu.dma_semaphore, #tpu.memory_space<semaphore_mem>>
      %dma_wait3A_276 = arith.constant 0 : i32
      %dma_wait3A_277 = arith.constant 0 : i32
      %dma_wait3A_278 = tpu.memref_slice %arg4[%add3A_243, %dma_wait3A_276, %dma_wait3A_277] : memref<1024x200x64xf32, #tpu.memory_space<hbm>> -> memref<1x200x64xf32, #tpu.memory_space<hbm>>
      %dma_wait3A_279 = tpu.memref_squeeze %dma_wait3A_278 : memref<1x200x64xf32, #tpu.memory_space<hbm>> -> memref<200x64xf32, #tpu.memory_space<hbm>>
      %dma_wait3A_280 = arith.constant 0 : i32
      %dma_wait3A_281 = arith.constant 0 : i32
      %dma_wait3A_282 = tpu.memref_slice %arg6[%dma_wait3A_264, %dma_wait3A_280, %dma_wait3A_281] : memref<4x200x128xf32, #tpu.memory_space<vmem>> -> memref<1x200x64xf32, #tpu.memory_space<vmem>>
      %dma_wait3A_283 = tpu.memref_squeeze %dma_wait3A_282 : memref<1x200x64xf32, #tpu.memory_space<vmem>> -> memref<200x64xf32, #tpu.memory_space<vmem>>
      tpu.wait_dma2 semaphore(%dma_wait3A_275 : memref<!tpu.dma_semaphore, #tpu.memory_space<semaphore_mem>>) src(%dma_wait3A_283 : memref<200x64xf32, #tpu.memory_space<vmem>>) dst(%dma_wait3A_279 : memref<200x64xf32, #tpu.memory_space<hbm>>)
      %add3A_284 = arith.constant 4 : i32
      %add3A_285 = arith.addi %add3A_214, %add3A_284 : i32
      %lt3A_286 = arith.constant 32 : i32
      %lt3A_287 = arith.cmpi slt, %add3A_285, %lt3A_286 : i32
      %convert_element_type3A_288 = arith.extui %lt3A_287 : i1 to i32
      %cond3A_289 = arith.constant 0 : i32
      %cond3A_290 = arith.cmpi ne, %convert_element_type3A_288, %cond3A_289 : i32
      scf.if %cond3A_290 {
        %add3A_447 = arith.constant 4 : i32
        %add3A_448 = arith.addi %add3A_214, %add3A_447 : i32
        %dma_start3A_449 = arith.constant 1 : i32
        %dma_start3A_450 = arith.constant 1 : i32
        %dma_start3A_451 = arith.constant 0 : i32
        %dma_start3A_452 = arith.constant 0 : i32
        %dma_start3A_453 = tpu.memref_slice %arg6[%dma_start3A_449, %dma_start3A_451, %dma_start3A_452] : memref<4x200x128xf32, #tpu.memory_space<vmem>> -> memref<1x128x128xf32, #tpu.memory_space<vmem>>
        %dma_start3A_454 = tpu.memref_squeeze %dma_start3A_453 : memref<1x128x128xf32, #tpu.memory_space<vmem>> -> memref<128x128xf32, #tpu.memory_space<vmem>>
        %dma_start3A_455 = arith.constant 0 : i32
        %dma_start3A_456 = tpu.memref_slice %arg5[%add3A_448, %dma_start3A_455] : memref<32x200xi32, #tpu.memory_space<vmem>> -> memref<1x128xi32, #tpu.memory_space<vmem>>
        %dma_start3A_457 = tpu.memref_squeeze %dma_start3A_456 : memref<1x128xi32, #tpu.memory_space<vmem>> -> memref<128xi32, #tpu.memory_space<vmem>>
        %dma_start3A_458 = arith.constant 0 : i32
        %dma_start3A_459 = arith.constant 0 : i32
        %dma_start3A_460 = tpu.memref_slice %arg2[%dma_start3A_458, %dma_start3A_459] : memref<1000000x128xf32, #tpu.memory_space<hbm>> -> memref<1000000x128xf32, #tpu.memory_space<hbm>>
        %dma_start3A_461 = tpu.memref_slice %arg8[%dma_start3A_450] : memref<4x!tpu.dma_semaphore, #tpu.memory_space<semaphore_mem>> -> memref<1x!tpu.dma_semaphore, #tpu.memory_space<semaphore_mem>>
        %dma_start3A_462 = tpu.memref_squeeze %dma_start3A_461 : memref<1x!tpu.dma_semaphore, #tpu.memory_space<semaphore_mem>> -> memref<!tpu.dma_semaphore, #tpu.memory_space<semaphore_mem>>
        tpu.enqueue_indirect_dma source(%dma_start3A_460 : memref<1000000x128xf32, #tpu.memory_space<hbm>>) target(%dma_start3A_454 : memref<128x128xf32, #tpu.memory_space<vmem>>) offsets(%dma_start3A_457 : memref<128xi32, #tpu.memory_space<vmem>>) semaphore(%dma_start3A_462 : memref<!tpu.dma_semaphore, #tpu.memory_space<semaphore_mem>>)
        %dma_start3A_463 = arith.constant 1 : i32
        %dma_start3A_464 = arith.constant 1 : i32
        %dma_start3A_465 = arith.constant 128 : i32
        %dma_start3A_466 = arith.constant 0 : i32
        %dma_start3A_467 = tpu.memref_slice %arg6[%dma_start3A_463, %dma_start3A_465, %dma_start3A_466] : memref<4x200x128xf32, #tpu.memory_space<vmem>> -> memref<1x72x128xf32, #tpu.memory_space<vmem>>
        %dma_start3A_468 = tpu.memref_squeeze %dma_start3A_467 : memref<1x72x128xf32, #tpu.memory_space<vmem>> -> memref<72x128xf32, #tpu.memory_space<vmem>>
        %dma_start3A_469 = arith.constant 128 : i32
        %dma_start3A_470 = tpu.memref_slice %arg5[%add3A_448, %dma_start3A_469] : memref<32x200xi32, #tpu.memory_space<vmem>> -> memref<1x72xi32, #tpu.memory_space<vmem>>
        %dma_start3A_471 = tpu.memref_squeeze %dma_start3A_470 : memref<1x72xi32, #tpu.memory_space<vmem>> -> memref<72xi32, #tpu.memory_space<vmem>>
        %dma_start3A_472 = arith.constant 0 : i32
        %dma_start3A_473 = arith.constant 0 : i32
        %dma_start3A_474 = tpu.memref_slice %arg2[%dma_start3A_472, %dma_start3A_473] : memref<1000000x128xf32, #tpu.memory_space<hbm>> -> memref<1000000x128xf32, #tpu.memory_space<hbm>>
        %dma_start3A_475 = tpu.memref_slice %arg8[%dma_start3A_464] : memref<4x!tpu.dma_semaphore, #tpu.memory_space<semaphore_mem>> -> memref<1x!tpu.dma_semaphore, #tpu.memory_space<semaphore_mem>>
        %dma_start3A_476 = tpu.memref_squeeze %dma_start3A_475 : memref<1x!tpu.dma_semaphore, #tpu.memory_space<semaphore_mem>> -> memref<!tpu.dma_semaphore, #tpu.memory_space<semaphore_mem>>
        tpu.enqueue_indirect_dma source(%dma_start3A_474 : memref<1000000x128xf32, #tpu.memory_space<hbm>>) target(%dma_start3A_468 : memref<72x128xf32, #tpu.memory_space<vmem>>) offsets(%dma_start3A_471 : memref<72xi32, #tpu.memory_space<vmem>>) semaphore(%dma_start3A_476 : memref<!tpu.dma_semaphore, #tpu.memory_space<semaphore_mem>>)
      } else {
      }
      %add3A_291 = arith.constant 2 : i32
      %add3A_292 = arith.addi %add3A_137, %add3A_291 : i32
      %dma_wait3A_293 = arith.constant 2 : i32
      %dma_wait3A_294 = arith.constant 2 : i32
      %dma_wait3A_295 = arith.constant 0 : i32
      %dma_wait3A_296 = arith.constant 0 : i32
      %dma_wait3A_297 = tpu.memref_slice %arg6[%dma_wait3A_293, %dma_wait3A_295, %dma_wait3A_296] : memref<4x200x128xf32, #tpu.memory_space<vmem>> -> memref<1x128x128xf32, #tpu.memory_space<vmem>>
      %dma_wait3A_298 = tpu.memref_squeeze %dma_wait3A_297 : memref<1x128x128xf32, #tpu.memory_space<vmem>> -> memref<128x128xf32, #tpu.memory_space<vmem>>
      %dma_wait3A_299 = arith.constant 0 : i32
      %dma_wait3A_300 = tpu.memref_slice %arg5[%add3A_292, %dma_wait3A_299] : memref<32x200xi32, #tpu.memory_space<vmem>> -> memref<1x128xi32, #tpu.memory_space<vmem>>
      %dma_wait3A_301 = tpu.memref_squeeze %dma_wait3A_300 : memref<1x128xi32, #tpu.memory_space<vmem>> -> memref<128xi32, #tpu.memory_space<vmem>>
      %dma_wait3A_302 = arith.constant 0 : i32
      %dma_wait3A_303 = arith.constant 0 : i32
      %dma_wait3A_304 = tpu.memref_slice %arg2[%dma_wait3A_302, %dma_wait3A_303] : memref<1000000x128xf32, #tpu.memory_space<hbm>> -> memref<1000000x128xf32, #tpu.memory_space<hbm>>
      %dma_wait3A_305 = tpu.memref_slice %arg8[%dma_wait3A_294] : memref<4x!tpu.dma_semaphore, #tpu.memory_space<semaphore_mem>> -> memref<1x!tpu.dma_semaphore, #tpu.memory_space<semaphore_mem>>
      %dma_wait3A_306 = tpu.memref_squeeze %dma_wait3A_305 : memref<1x!tpu.dma_semaphore, #tpu.memory_space<semaphore_mem>> -> memref<!tpu.dma_semaphore, #tpu.memory_space<semaphore_mem>>
      tpu.wait_indirect_dma semaphore(%dma_wait3A_306 : memref<!tpu.dma_semaphore, #tpu.memory_space<semaphore_mem>>) src(%dma_wait3A_304 : memref<1000000x128xf32, #tpu.memory_space<hbm>>) dst(%dma_wait3A_298 : memref<128x128xf32, #tpu.memory_space<vmem>>)
      %dma_wait3A_307 = arith.constant 2 : i32
      %dma_wait3A_308 = arith.constant 2 : i32
      %dma_wait3A_309 = arith.constant 128 : i32
      %dma_wait3A_310 = arith.constant 0 : i32
      %dma_wait3A_311 = tpu.memref_slice %arg6[%dma_wait3A_307, %dma_wait3A_309, %dma_wait3A_310] : memref<4x200x128xf32, #tpu.memory_space<vmem>> -> memref<1x72x128xf32, #tpu.memory_space<vmem>>
      %dma_wait3A_312 = tpu.memref_squeeze %dma_wait3A_311 : memref<1x72x128xf32, #tpu.memory_space<vmem>> -> memref<72x128xf32, #tpu.memory_space<vmem>>
      %dma_wait3A_313 = arith.constant 128 : i32
      %dma_wait3A_314 = tpu.memref_slice %arg5[%add3A_292, %dma_wait3A_313] : memref<32x200xi32, #tpu.memory_space<vmem>> -> memref<1x72xi32, #tpu.memory_space<vmem>>
      %dma_wait3A_315 = tpu.memref_squeeze %dma_wait3A_314 : memref<1x72xi32, #tpu.memory_space<vmem>> -> memref<72xi32, #tpu.memory_space<vmem>>
      %dma_wait3A_316 = arith.constant 0 : i32
      %dma_wait3A_317 = arith.constant 0 : i32
      %dma_wait3A_318 = tpu.memref_slice %arg2[%dma_wait3A_316, %dma_wait3A_317] : memref<1000000x128xf32, #tpu.memory_space<hbm>> -> memref<1000000x128xf32, #tpu.memory_space<hbm>>
      %dma_wait3A_319 = tpu.memref_slice %arg8[%dma_wait3A_308] : memref<4x!tpu.dma_semaphore, #tpu.memory_space<semaphore_mem>> -> memref<1x!tpu.dma_semaphore, #tpu.memory_space<semaphore_mem>>
      %dma_wait3A_320 = tpu.memref_squeeze %dma_wait3A_319 : memref<1x!tpu.dma_semaphore, #tpu.memory_space<semaphore_mem>> -> memref<!tpu.dma_semaphore, #tpu.memory_space<semaphore_mem>>
      tpu.wait_indirect_dma semaphore(%dma_wait3A_320 : memref<!tpu.dma_semaphore, #tpu.memory_space<semaphore_mem>>) src(%dma_wait3A_318 : memref<1000000x128xf32, #tpu.memory_space<hbm>>) dst(%dma_wait3A_312 : memref<72x128xf32, #tpu.memory_space<vmem>>)
      %add3A_321 = arith.addi %mul3A_2, %add3A_292 : i32
      %dma_start3A_322 = arith.constant 2 : i32
      %dma_start3A_323 = arith.constant 2 : i32
      %dma_start3A_324 = arith.constant 0 : i32
      %dma_start3A_325 = arith.constant 0 : i32
      %dma_start3A_326 = tpu.memref_slice %arg6[%dma_start3A_322, %dma_start3A_324, %dma_start3A_325] : memref<4x200x128xf32, #tpu.memory_space<vmem>> -> memref<1x200x64xf32, #tpu.memory_space<vmem>>
      %dma_start3A_327 = tpu.memref_squeeze %dma_start3A_326 : memref<1x200x64xf32, #tpu.memory_space<vmem>> -> memref<200x64xf32, #tpu.memory_space<vmem>>
      %dma_start3A_328 = arith.constant 0 : i32
      %dma_start3A_329 = arith.constant 0 : i32
      %dma_start3A_330 = tpu.memref_slice %arg4[%add3A_321, %dma_start3A_328, %dma_start3A_329] : memref<1024x200x64xf32, #tpu.memory_space<hbm>> -> memref<1x200x64xf32, #tpu.memory_space<hbm>>
      %dma_start3A_331 = tpu.memref_squeeze %dma_start3A_330 : memref<1x200x64xf32, #tpu.memory_space<hbm>> -> memref<200x64xf32, #tpu.memory_space<hbm>>
      %dma_start3A_332 = tpu.memref_slice %arg9[%dma_start3A_323] : memref<4x!tpu.dma_semaphore, #tpu.memory_space<semaphore_mem>> -> memref<1x!tpu.dma_semaphore, #tpu.memory_space<semaphore_mem>>
      %dma_start3A_333 = tpu.memref_squeeze %dma_start3A_332 : memref<1x!tpu.dma_semaphore, #tpu.memory_space<semaphore_mem>> -> memref<!tpu.dma_semaphore, #tpu.memory_space<semaphore_mem>>
      %dma_start3A_334 = arith.constant 0 : i32
      %dma_start3A_335 = arith.constant 0 : i32
      %dma_start3A_336 = tpu.memref_slice %arg4[%add3A_321, %dma_start3A_334, %dma_start3A_335] : memref<1024x200x64xf32, #tpu.memory_space<hbm>> -> memref<1x200x64xf32, #tpu.memory_space<hbm>>
      %dma_start3A_337 = tpu.memref_squeeze %dma_start3A_336 : memref<1x200x64xf32, #tpu.memory_space<hbm>> -> memref<200x64xf32, #tpu.memory_space<hbm>>
      %dma_start3A_338 = arith.constant 0 : i32
      %dma_start3A_339 = arith.constant 0 : i32
      %dma_start3A_340 = tpu.memref_slice %arg6[%dma_start3A_322, %dma_start3A_338, %dma_start3A_339] : memref<4x200x128xf32, #tpu.memory_space<vmem>> -> memref<1x200x64xf32, #tpu.memory_space<vmem>>
      %dma_start3A_341 = tpu.memref_squeeze %dma_start3A_340 : memref<1x200x64xf32, #tpu.memory_space<vmem>> -> memref<200x64xf32, #tpu.memory_space<vmem>>
      tpu.enqueue_dma source(%dma_start3A_341 : memref<200x64xf32, #tpu.memory_space<vmem>>) target(%dma_start3A_337 : memref<200x64xf32, #tpu.memory_space<hbm>>) target_semaphore(%dma_start3A_333 : memref<!tpu.dma_semaphore, #tpu.memory_space<semaphore_mem>>)
      %dma_wait3A_342 = arith.constant 2 : i32
      %dma_wait3A_343 = arith.constant 2 : i32
      %dma_wait3A_344 = arith.constant 0 : i32
      %dma_wait3A_345 = arith.constant 0 : i32
      %dma_wait3A_346 = tpu.memref_slice %arg6[%dma_wait3A_342, %dma_wait3A_344, %dma_wait3A_345] : memref<4x200x128xf32, #tpu.memory_space<vmem>> -> memref<1x200x64xf32, #tpu.memory_space<vmem>>
      %dma_wait3A_347 = tpu.memref_squeeze %dma_wait3A_346 : memref<1x200x64xf32, #tpu.memory_space<vmem>> -> memref<200x64xf32, #tpu.memory_space<vmem>>
      %dma_wait3A_348 = arith.constant 0 : i32
      %dma_wait3A_349 = arith.constant 0 : i32
      %dma_wait3A_350 = tpu.memref_slice %arg4[%add3A_321, %dma_wait3A_348, %dma_wait3A_349] : memref<1024x200x64xf32, #tpu.memory_space<hbm>> -> memref<1x200x64xf32, #tpu.memory_space<hbm>>
      %dma_wait3A_351 = tpu.memref_squeeze %dma_wait3A_350 : memref<1x200x64xf32, #tpu.memory_space<hbm>> -> memref<200x64xf32, #tpu.memory_space<hbm>>
      %dma_wait3A_352 = tpu.memref_slice %arg9[%dma_wait3A_343] : memref<4x!tpu.dma_semaphore, #tpu.memory_space<semaphore_mem>> -> memref<1x!tpu.dma_semaphore, #tpu.memory_space<semaphore_mem>>
      %dma_wait3A_353 = tpu.memref_squeeze %dma_wait3A_352 : memref<1x!tpu.dma_semaphore, #tpu.memory_space<semaphore_mem>> -> memref<!tpu.dma_semaphore, #tpu.memory_space<semaphore_mem>>
      %dma_wait3A_354 = arith.constant 0 : i32
      %dma_wait3A_355 = arith.constant 0 : i32
      %dma_wait3A_356 = tpu.memref_slice %arg4[%add3A_321, %dma_wait3A_354, %dma_wait3A_355] : memref<1024x200x64xf32, #tpu.memory_space<hbm>> -> memref<1x200x64xf32, #tpu.memory_space<hbm>>
      %dma_wait3A_357 = tpu.memref_squeeze %dma_wait3A_356 : memref<1x200x64xf32, #tpu.memory_space<hbm>> -> memref<200x64xf32, #tpu.memory_space<hbm>>
      %dma_wait3A_358 = arith.constant 0 : i32
      %dma_wait3A_359 = arith.constant 0 : i32
      %dma_wait3A_360 = tpu.memref_slice %arg6[%dma_wait3A_342, %dma_wait3A_358, %dma_wait3A_359] : memref<4x200x128xf32, #tpu.memory_space<vmem>> -> memref<1x200x64xf32, #tpu.memory_space<vmem>>
      %dma_wait3A_361 = tpu.memref_squeeze %dma_wait3A_360 : memref<1x200x64xf32, #tpu.memory_space<vmem>> -> memref<200x64xf32, #tpu.memory_space<vmem>>
      tpu.wait_dma2 semaphore(%dma_wait3A_353 : memref<!tpu.dma_semaphore, #tpu.memory_space<semaphore_mem>>) src(%dma_wait3A_361 : memref<200x64xf32, #tpu.memory_space<vmem>>) dst(%dma_wait3A_357 : memref<200x64xf32, #tpu.memory_space<hbm>>)
      %add3A_362 = arith.constant 4 : i32
      %add3A_363 = arith.addi %add3A_292, %add3A_362 : i32
      %lt3A_364 = arith.constant 32 : i32
      %lt3A_365 = arith.cmpi slt, %add3A_363, %lt3A_364 : i32
      %convert_element_type3A_366 = arith.extui %lt3A_365 : i1 to i32
      %cond3A_367 = arith.constant 0 : i32
      %cond3A_368 = arith.cmpi ne, %convert_element_type3A_366, %cond3A_367 : i32
      scf.if %cond3A_368 {
        %add3A_447 = arith.constant 4 : i32
        %add3A_448 = arith.addi %add3A_292, %add3A_447 : i32
        %dma_start3A_449 = arith.constant 2 : i32
        %dma_start3A_450 = arith.constant 2 : i32
        %dma_start3A_451 = arith.constant 0 : i32
        %dma_start3A_452 = arith.constant 0 : i32
        %dma_start3A_453 = tpu.memref_slice %arg6[%dma_start3A_449, %dma_start3A_451, %dma_start3A_452] : memref<4x200x128xf32, #tpu.memory_space<vmem>> -> memref<1x128x128xf32, #tpu.memory_space<vmem>>
        %dma_start3A_454 = tpu.memref_squeeze %dma_start3A_453 : memref<1x128x128xf32, #tpu.memory_space<vmem>> -> memref<128x128xf32, #tpu.memory_space<vmem>>
        %dma_start3A_455 = arith.constant 0 : i32
        %dma_start3A_456 = tpu.memref_slice %arg5[%add3A_448, %dma_start3A_455] : memref<32x200xi32, #tpu.memory_space<vmem>> -> memref<1x128xi32, #tpu.memory_space<vmem>>
        %dma_start3A_457 = tpu.memref_squeeze %dma_start3A_456 : memref<1x128xi32, #tpu.memory_space<vmem>> -> memref<128xi32, #tpu.memory_space<vmem>>
        %dma_start3A_458 = arith.constant 0 : i32
        %dma_start3A_459 = arith.constant 0 : i32
        %dma_start3A_460 = tpu.memref_slice %arg2[%dma_start3A_458, %dma_start3A_459] : memref<1000000x128xf32, #tpu.memory_space<hbm>> -> memref<1000000x128xf32, #tpu.memory_space<hbm>>
        %dma_start3A_461 = tpu.memref_slice %arg8[%dma_start3A_450] : memref<4x!tpu.dma_semaphore, #tpu.memory_space<semaphore_mem>> -> memref<1x!tpu.dma_semaphore, #tpu.memory_space<semaphore_mem>>
        %dma_start3A_462 = tpu.memref_squeeze %dma_start3A_461 : memref<1x!tpu.dma_semaphore, #tpu.memory_space<semaphore_mem>> -> memref<!tpu.dma_semaphore, #tpu.memory_space<semaphore_mem>>
        tpu.enqueue_indirect_dma source(%dma_start3A_460 : memref<1000000x128xf32, #tpu.memory_space<hbm>>) target(%dma_start3A_454 : memref<128x128xf32, #tpu.memory_space<vmem>>) offsets(%dma_start3A_457 : memref<128xi32, #tpu.memory_space<vmem>>) semaphore(%dma_start3A_462 : memref<!tpu.dma_semaphore, #tpu.memory_space<semaphore_mem>>)
        %dma_start3A_463 = arith.constant 2 : i32
        %dma_start3A_464 = arith.constant 2 : i32
        %dma_start3A_465 = arith.constant 128 : i32
        %dma_start3A_466 = arith.constant 0 : i32
        %dma_start3A_467 = tpu.memref_slice %arg6[%dma_start3A_463, %dma_start3A_465, %dma_start3A_466] : memref<4x200x128xf32, #tpu.memory_space<vmem>> -> memref<1x72x128xf32, #tpu.memory_space<vmem>>
        %dma_start3A_468 = tpu.memref_squeeze %dma_start3A_467 : memref<1x72x128xf32, #tpu.memory_space<vmem>> -> memref<72x128xf32, #tpu.memory_space<vmem>>
        %dma_start3A_469 = arith.constant 128 : i32
        %dma_start3A_470 = tpu.memref_slice %arg5[%add3A_448, %dma_start3A_469] : memref<32x200xi32, #tpu.memory_space<vmem>> -> memref<1x72xi32, #tpu.memory_space<vmem>>
        %dma_start3A_471 = tpu.memref_squeeze %dma_start3A_470 : memref<1x72xi32, #tpu.memory_space<vmem>> -> memref<72xi32, #tpu.memory_space<vmem>>
        %dma_start3A_472 = arith.constant 0 : i32
        %dma_start3A_473 = arith.constant 0 : i32
        %dma_start3A_474 = tpu.memref_slice %arg2[%dma_start3A_472, %dma_start3A_473] : memref<1000000x128xf32, #tpu.memory_space<hbm>> -> memref<1000000x128xf32, #tpu.memory_space<hbm>>
        %dma_start3A_475 = tpu.memref_slice %arg8[%dma_start3A_464] : memref<4x!tpu.dma_semaphore, #tpu.memory_space<semaphore_mem>> -> memref<1x!tpu.dma_semaphore, #tpu.memory_space<semaphore_mem>>
        %dma_start3A_476 = tpu.memref_squeeze %dma_start3A_475 : memref<1x!tpu.dma_semaphore, #tpu.memory_space<semaphore_mem>> -> memref<!tpu.dma_semaphore, #tpu.memory_space<semaphore_mem>>
        tpu.enqueue_indirect_dma source(%dma_start3A_474 : memref<1000000x128xf32, #tpu.memory_space<hbm>>) target(%dma_start3A_468 : memref<72x128xf32, #tpu.memory_space<vmem>>) offsets(%dma_start3A_471 : memref<72xi32, #tpu.memory_space<vmem>>) semaphore(%dma_start3A_476 : memref<!tpu.dma_semaphore, #tpu.memory_space<semaphore_mem>>)
      } else {
      }
      %add3A_369 = arith.constant 3 : i32
      %add3A_370 = arith.addi %add3A_137, %add3A_369 : i32
      %dma_wait3A_371 = arith.constant 3 : i32
      %dma_wait3A_372 = arith.constant 3 : i32
      %dma_wait3A_373 = arith.constant 0 : i32
      %dma_wait3A_374 = arith.constant 0 : i32
      %dma_wait3A_375 = tpu.memref_slice %arg6[%dma_wait3A_371, %dma_wait3A_373, %dma_wait3A_374] : memref<4x200x128xf32, #tpu.memory_space<vmem>> -> memref<1x128x128xf32, #tpu.memory_space<vmem>>
      %dma_wait3A_376 = tpu.memref_squeeze %dma_wait3A_375 : memref<1x128x128xf32, #tpu.memory_space<vmem>> -> memref<128x128xf32, #tpu.memory_space<vmem>>
      %dma_wait3A_377 = arith.constant 0 : i32
      %dma_wait3A_378 = tpu.memref_slice %arg5[%add3A_370, %dma_wait3A_377] : memref<32x200xi32, #tpu.memory_space<vmem>> -> memref<1x128xi32, #tpu.memory_space<vmem>>
      %dma_wait3A_379 = tpu.memref_squeeze %dma_wait3A_378 : memref<1x128xi32, #tpu.memory_space<vmem>> -> memref<128xi32, #tpu.memory_space<vmem>>
      %dma_wait3A_380 = arith.constant 0 : i32
      %dma_wait3A_381 = arith.constant 0 : i32
      %dma_wait3A_382 = tpu.memref_slice %arg2[%dma_wait3A_380, %dma_wait3A_381] : memref<1000000x128xf32, #tpu.memory_space<hbm>> -> memref<1000000x128xf32, #tpu.memory_space<hbm>>
      %dma_wait3A_383 = tpu.memref_slice %arg8[%dma_wait3A_372] : memref<4x!tpu.dma_semaphore, #tpu.memory_space<semaphore_mem>> -> memref<1x!tpu.dma_semaphore, #tpu.memory_space<semaphore_mem>>
      %dma_wait3A_384 = tpu.memref_squeeze %dma_wait3A_383 : memref<1x!tpu.dma_semaphore, #tpu.memory_space<semaphore_mem>> -> memref<!tpu.dma_semaphore, #tpu.memory_space<semaphore_mem>>
      tpu.wait_indirect_dma semaphore(%dma_wait3A_384 : memref<!tpu.dma_semaphore, #tpu.memory_space<semaphore_mem>>) src(%dma_wait3A_382 : memref<1000000x128xf32, #tpu.memory_space<hbm>>) dst(%dma_wait3A_376 : memref<128x128xf32, #tpu.memory_space<vmem>>)
      %dma_wait3A_385 = arith.constant 3 : i32
      %dma_wait3A_386 = arith.constant 3 : i32
      %dma_wait3A_387 = arith.constant 128 : i32
      %dma_wait3A_388 = arith.constant 0 : i32
      %dma_wait3A_389 = tpu.memref_slice %arg6[%dma_wait3A_385, %dma_wait3A_387, %dma_wait3A_388] : memref<4x200x128xf32, #tpu.memory_space<vmem>> -> memref<1x72x128xf32, #tpu.memory_space<vmem>>
      %dma_wait3A_390 = tpu.memref_squeeze %dma_wait3A_389 : memref<1x72x128xf32, #tpu.memory_space<vmem>> -> memref<72x128xf32, #tpu.memory_space<vmem>>
      %dma_wait3A_391 = arith.constant 128 : i32
      %dma_wait3A_392 = tpu.memref_slice %arg5[%add3A_370, %dma_wait3A_391] : memref<32x200xi32, #tpu.memory_space<vmem>> -> memref<1x72xi32, #tpu.memory_space<vmem>>
      %dma_wait3A_393 = tpu.memref_squeeze %dma_wait3A_392 : memref<1x72xi32, #tpu.memory_space<vmem>> -> memref<72xi32, #tpu.memory_space<vmem>>
      %dma_wait3A_394 = arith.constant 0 : i32
      %dma_wait3A_395 = arith.constant 0 : i32
      %dma_wait3A_396 = tpu.memref_slice %arg2[%dma_wait3A_394, %dma_wait3A_395] : memref<1000000x128xf32, #tpu.memory_space<hbm>> -> memref<1000000x128xf32, #tpu.memory_space<hbm>>
      %dma_wait3A_397 = tpu.memref_slice %arg8[%dma_wait3A_386] : memref<4x!tpu.dma_semaphore, #tpu.memory_space<semaphore_mem>> -> memref<1x!tpu.dma_semaphore, #tpu.memory_space<semaphore_mem>>
      %dma_wait3A_398 = tpu.memref_squeeze %dma_wait3A_397 : memref<1x!tpu.dma_semaphore, #tpu.memory_space<semaphore_mem>> -> memref<!tpu.dma_semaphore, #tpu.memory_space<semaphore_mem>>
      tpu.wait_indirect_dma semaphore(%dma_wait3A_398 : memref<!tpu.dma_semaphore, #tpu.memory_space<semaphore_mem>>) src(%dma_wait3A_396 : memref<1000000x128xf32, #tpu.memory_space<hbm>>) dst(%dma_wait3A_390 : memref<72x128xf32, #tpu.memory_space<vmem>>)
      %add3A_399 = arith.addi %mul3A_2, %add3A_370 : i32
      %dma_start3A_400 = arith.constant 3 : i32
      %dma_start3A_401 = arith.constant 3 : i32
      %dma_start3A_402 = arith.constant 0 : i32
      %dma_start3A_403 = arith.constant 0 : i32
      %dma_start3A_404 = tpu.memref_slice %arg6[%dma_start3A_400, %dma_start3A_402, %dma_start3A_403] : memref<4x200x128xf32, #tpu.memory_space<vmem>> -> memref<1x200x64xf32, #tpu.memory_space<vmem>>
      %dma_start3A_405 = tpu.memref_squeeze %dma_start3A_404 : memref<1x200x64xf32, #tpu.memory_space<vmem>> -> memref<200x64xf32, #tpu.memory_space<vmem>>
      %dma_start3A_406 = arith.constant 0 : i32
      %dma_start3A_407 = arith.constant 0 : i32
      %dma_start3A_408 = tpu.memref_slice %arg4[%add3A_399, %dma_start3A_406, %dma_start3A_407] : memref<1024x200x64xf32, #tpu.memory_space<hbm>> -> memref<1x200x64xf32, #tpu.memory_space<hbm>>
      %dma_start3A_409 = tpu.memref_squeeze %dma_start3A_408 : memref<1x200x64xf32, #tpu.memory_space<hbm>> -> memref<200x64xf32, #tpu.memory_space<hbm>>
      %dma_start3A_410 = tpu.memref_slice %arg9[%dma_start3A_401] : memref<4x!tpu.dma_semaphore, #tpu.memory_space<semaphore_mem>> -> memref<1x!tpu.dma_semaphore, #tpu.memory_space<semaphore_mem>>
      %dma_start3A_411 = tpu.memref_squeeze %dma_start3A_410 : memref<1x!tpu.dma_semaphore, #tpu.memory_space<semaphore_mem>> -> memref<!tpu.dma_semaphore, #tpu.memory_space<semaphore_mem>>
      %dma_start3A_412 = arith.constant 0 : i32
      %dma_start3A_413 = arith.constant 0 : i32
      %dma_start3A_414 = tpu.memref_slice %arg4[%add3A_399, %dma_start3A_412, %dma_start3A_413] : memref<1024x200x64xf32, #tpu.memory_space<hbm>> -> memref<1x200x64xf32, #tpu.memory_space<hbm>>
      %dma_start3A_415 = tpu.memref_squeeze %dma_start3A_414 : memref<1x200x64xf32, #tpu.memory_space<hbm>> -> memref<200x64xf32, #tpu.memory_space<hbm>>
      %dma_start3A_416 = arith.constant 0 : i32
      %dma_start3A_417 = arith.constant 0 : i32
      %dma_start3A_418 = tpu.memref_slice %arg6[%dma_start3A_400, %dma_start3A_416, %dma_start3A_417] : memref<4x200x128xf32, #tpu.memory_space<vmem>> -> memref<1x200x64xf32, #tpu.memory_space<vmem>>
      %dma_start3A_419 = tpu.memref_squeeze %dma_start3A_418 : memref<1x200x64xf32, #tpu.memory_space<vmem>> -> memref<200x64xf32, #tpu.memory_space<vmem>>
      tpu.enqueue_dma source(%dma_start3A_419 : memref<200x64xf32, #tpu.memory_space<vmem>>) target(%dma_start3A_415 : memref<200x64xf32, #tpu.memory_space<hbm>>) target_semaphore(%dma_start3A_411 : memref<!tpu.dma_semaphore, #tpu.memory_space<semaphore_mem>>)
      %dma_wait3A_420 = arith.constant 3 : i32
      %dma_wait3A_421 = arith.constant 3 : i32
      %dma_wait3A_422 = arith.constant 0 : i32
      %dma_wait3A_423 = arith.constant 0 : i32
      %dma_wait3A_424 = tpu.memref_slice %arg6[%dma_wait3A_420, %dma_wait3A_422, %dma_wait3A_423] : memref<4x200x128xf32, #tpu.memory_space<vmem>> -> memref<1x200x64xf32, #tpu.memory_space<vmem>>
      %dma_wait3A_425 = tpu.memref_squeeze %dma_wait3A_424 : memref<1x200x64xf32, #tpu.memory_space<vmem>> -> memref<200x64xf32, #tpu.memory_space<vmem>>
      %dma_wait3A_426 = arith.constant 0 : i32
      %dma_wait3A_427 = arith.constant 0 : i32
      %dma_wait3A_428 = tpu.memref_slice %arg4[%add3A_399, %dma_wait3A_426, %dma_wait3A_427] : memref<1024x200x64xf32, #tpu.memory_space<hbm>> -> memref<1x200x64xf32, #tpu.memory_space<hbm>>
      %dma_wait3A_429 = tpu.memref_squeeze %dma_wait3A_428 : memref<1x200x64xf32, #tpu.memory_space<hbm>> -> memref<200x64xf32, #tpu.memory_space<hbm>>
      %dma_wait3A_430 = tpu.memref_slice %arg9[%dma_wait3A_421] : memref<4x!tpu.dma_semaphore, #tpu.memory_space<semaphore_mem>> -> memref<1x!tpu.dma_semaphore, #tpu.memory_space<semaphore_mem>>
      %dma_wait3A_431 = tpu.memref_squeeze %dma_wait3A_430 : memref<1x!tpu.dma_semaphore, #tpu.memory_space<semaphore_mem>> -> memref<!tpu.dma_semaphore, #tpu.memory_space<semaphore_mem>>
      %dma_wait3A_432 = arith.constant 0 : i32
      %dma_wait3A_433 = arith.constant 0 : i32
      %dma_wait3A_434 = tpu.memref_slice %arg4[%add3A_399, %dma_wait3A_432, %dma_wait3A_433] : memref<1024x200x64xf32, #tpu.memory_space<hbm>> -> memref<1x200x64xf32, #tpu.memory_space<hbm>>
      %dma_wait3A_435 = tpu.memref_squeeze %dma_wait3A_434 : memref<1x200x64xf32, #tpu.memory_space<hbm>> -> memref<200x64xf32, #tpu.memory_space<hbm>>
      %dma_wait3A_436 = arith.constant 0 : i32
      %dma_wait3A_437 = arith.constant 0 : i32
      %dma_wait3A_438 = tpu.memref_slice %arg6[%dma_wait3A_420, %dma_wait3A_436, %dma_wait3A_437] : memref<4x200x128xf32, #tpu.memory_space<vmem>> -> memref<1x200x64xf32, #tpu.memory_space<vmem>>
      %dma_wait3A_439 = tpu.memref_squeeze %dma_wait3A_438 : memref<1x200x64xf32, #tpu.memory_space<vmem>> -> memref<200x64xf32, #tpu.memory_space<vmem>>
      tpu.wait_dma2 semaphore(%dma_wait3A_431 : memref<!tpu.dma_semaphore, #tpu.memory_space<semaphore_mem>>) src(%dma_wait3A_439 : memref<200x64xf32, #tpu.memory_space<vmem>>) dst(%dma_wait3A_435 : memref<200x64xf32, #tpu.memory_space<hbm>>)
      %add3A_440 = arith.constant 4 : i32
      %add3A_441 = arith.addi %add3A_370, %add3A_440 : i32
      %lt3A_442 = arith.constant 32 : i32
      %lt3A_443 = arith.cmpi slt, %add3A_441, %lt3A_442 : i32
      %convert_element_type3A_444 = arith.extui %lt3A_443 : i1 to i32
      %cond3A_445 = arith.constant 0 : i32
      %cond3A_446 = arith.cmpi ne, %convert_element_type3A_444, %cond3A_445 : i32
      scf.if %cond3A_446 {
        %add3A_447 = arith.constant 4 : i32
        %add3A_448 = arith.addi %add3A_370, %add3A_447 : i32
        %dma_start3A_449 = arith.constant 3 : i32
        %dma_start3A_450 = arith.constant 3 : i32
        %dma_start3A_451 = arith.constant 0 : i32
        %dma_start3A_452 = arith.constant 0 : i32
        %dma_start3A_453 = tpu.memref_slice %arg6[%dma_start3A_449, %dma_start3A_451, %dma_start3A_452] : memref<4x200x128xf32, #tpu.memory_space<vmem>> -> memref<1x128x128xf32, #tpu.memory_space<vmem>>
        %dma_start3A_454 = tpu.memref_squeeze %dma_start3A_453 : memref<1x128x128xf32, #tpu.memory_space<vmem>> -> memref<128x128xf32, #tpu.memory_space<vmem>>
        %dma_start3A_455 = arith.constant 0 : i32
        %dma_start3A_456 = tpu.memref_slice %arg5[%add3A_448, %dma_start3A_455] : memref<32x200xi32, #tpu.memory_space<vmem>> -> memref<1x128xi32, #tpu.memory_space<vmem>>
        %dma_start3A_457 = tpu.memref_squeeze %dma_start3A_456 : memref<1x128xi32, #tpu.memory_space<vmem>> -> memref<128xi32, #tpu.memory_space<vmem>>
        %dma_start3A_458 = arith.constant 0 : i32
        %dma_start3A_459 = arith.constant 0 : i32
        %dma_start3A_460 = tpu.memref_slice %arg2[%dma_start3A_458, %dma_start3A_459] : memref<1000000x128xf32, #tpu.memory_space<hbm>> -> memref<1000000x128xf32, #tpu.memory_space<hbm>>
        %dma_start3A_461 = tpu.memref_slice %arg8[%dma_start3A_450] : memref<4x!tpu.dma_semaphore, #tpu.memory_space<semaphore_mem>> -> memref<1x!tpu.dma_semaphore, #tpu.memory_space<semaphore_mem>>
        %dma_start3A_462 = tpu.memref_squeeze %dma_start3A_461 : memref<1x!tpu.dma_semaphore, #tpu.memory_space<semaphore_mem>> -> memref<!tpu.dma_semaphore, #tpu.memory_space<semaphore_mem>>
        tpu.enqueue_indirect_dma source(%dma_start3A_460 : memref<1000000x128xf32, #tpu.memory_space<hbm>>) target(%dma_start3A_454 : memref<128x128xf32, #tpu.memory_space<vmem>>) offsets(%dma_start3A_457 : memref<128xi32, #tpu.memory_space<vmem>>) semaphore(%dma_start3A_462 : memref<!tpu.dma_semaphore, #tpu.memory_space<semaphore_mem>>)
        %dma_start3A_463 = arith.constant 3 : i32
        %dma_start3A_464 = arith.constant 3 : i32
        %dma_start3A_465 = arith.constant 128 : i32
        %dma_start3A_466 = arith.constant 0 : i32
        %dma_start3A_467 = tpu.memref_slice %arg6[%dma_start3A_463, %dma_start3A_465, %dma_start3A_466] : memref<4x200x128xf32, #tpu.memory_space<vmem>> -> memref<1x72x128xf32, #tpu.memory_space<vmem>>
        %dma_start3A_468 = tpu.memref_squeeze %dma_start3A_467 : memref<1x72x128xf32, #tpu.memory_space<vmem>> -> memref<72x128xf32, #tpu.memory_space<vmem>>
        %dma_start3A_469 = arith.constant 128 : i32
        %dma_start3A_470 = tpu.memref_slice %arg5[%add3A_448, %dma_start3A_469] : memref<32x200xi32, #tpu.memory_space<vmem>> -> memref<1x72xi32, #tpu.memory_space<vmem>>
        %dma_start3A_471 = tpu.memref_squeeze %dma_start3A_470 : memref<1x72xi32, #tpu.memory_space<vmem>> -> memref<72xi32, #tpu.memory_space<vmem>>
        %dma_start3A_472 = arith.constant 0 : i32
        %dma_start3A_473 = arith.constant 0 : i32
        %dma_start3A_474 = tpu.memref_slice %arg2[%dma_start3A_472, %dma_start3A_473] : memref<1000000x128xf32, #tpu.memory_space<hbm>> -> memref<1000000x128xf32, #tpu.memory_space<hbm>>
        %dma_start3A_475 = tpu.memref_slice %arg8[%dma_start3A_464] : memref<4x!tpu.dma_semaphore, #tpu.memory_space<semaphore_mem>> -> memref<1x!tpu.dma_semaphore, #tpu.memory_space<semaphore_mem>>
        %dma_start3A_476 = tpu.memref_squeeze %dma_start3A_475 : memref<1x!tpu.dma_semaphore, #tpu.memory_space<semaphore_mem>> -> memref<!tpu.dma_semaphore, #tpu.memory_space<semaphore_mem>>
        tpu.enqueue_indirect_dma source(%dma_start3A_474 : memref<1000000x128xf32, #tpu.memory_space<hbm>>) target(%dma_start3A_468 : memref<72x128xf32, #tpu.memory_space<vmem>>) offsets(%dma_start3A_471 : memref<72xi32, #tpu.memory_space<vmem>>) semaphore(%dma_start3A_476 : memref<!tpu.dma_semaphore, #tpu.memory_space<semaphore_mem>>)
      } else {
      }
    }
    %scan3A_132 = arith.constant 8 : i32
    return
  }
}

</mosaic_0001>

<sc_bundles>
// kernel: gather.3.cloned.1.call-start
scs
__scs_entry_jumppad:
0x0: {  	(pc) =	sbr.rel $0x88, $3  }
0x1: {  	(tag) =	ssettag $0x0;
	lr =	simm.s32 $0x1  }
0x2: {  	[smem:$0x3F9F] =	sst lr;
	_ =	strace $0xD0000000  }
0x3: {  	_ = 	snop  }
0x4: {  	_ = 	snop  }
0x5: {  	_ = 	snop  }
0x6: {  	_ = 	snop  }
0x7: {  	_ = 	snop  }
__scs_overlays_trampoline_lowered:
0x8: {  	[smem:$0x3FAE] =	sst s0  }
0x9: {  	[smem:$0x3FAF] =	sst s1  }
0xa: {  	[smem:$0x3FB0] =	sst s2  }
0xb: {  	[smem:$0x3FB1] =	sst s3  }
0xc: {  	[smem:$0x3FB2] =	sst s4  }
0xd: {  	[smem:$0x3FB3] =	sst s5  }
0xe: {  	[smem:$0x3FB4] =	sst s6  }
0xf: {  	[smem:$0x3FB5] =	sst s7  }
0x10: {  	[smem:$0x3FB6] =	sst s8  }
0x11: {  	[smem:$0x3FB7] =	sst s9;
	s0 =	simm.s32 @!p0 $0x0  }
0x12: {  	s1 =	sld [smem:$0x3F9D];
	s0 =	simm.s32 @p0 $0x1  }
0x13: {  	[smem:$0x3FB8] =	sst s0;
	s0 =	simm.s32 @!p1 $0x0  }
0x14: {  	s2 =	sld [smem:$0x3F9C];
	s0 =	simm.s32 @p1 $0x1  }
0x15: {  	[smem:$0x3FB9] =	sst s0;
	s0 =	simm.s32 @!p2 $0x0  }
0x16: {  	s3 =	sld [smem:$0x3FDB];
	s0 =	simm.s32 @p2 $0x1  }
0x17: {  	s4 =	simm.s32 $0x1BF5;
	[smem:$0x3FBB] =	sst s0  }
0x18: {  	s0 =	sld [smem:$0x3F9E];
	_ =	swait.ge [sflag:s4], $0x0  }
0x19: {  	s7 =	sld [smem:$0x3F9F]  }
0x1a: {  	s8 =	sadd.s32 $0xFFFFE003, lr  }
0x1b: {  	s9 =	sadd.s32 $0xFFFFFEF7, lr;
	s5 =	simm.s32 $0xFFFFFFFF;
	p2 =	slt.u32 s8, $0xFFFFF086  }
0x1c: {  	p1 =	slt.u32 s9, $0xF7A;
	s5 =	simm.s32 @!p2 $0x0  }
0x1d: {  	s5 =	simm.s32 @p1 $0x1;
	p0 =	seq.s32 s7, s2  }
0x1e: {  	s7 =	smul.u32 @!p0 $0xF7A, s2;
	p2 =	seq.s32 @!p0 s5, $0x0  }
0x1f: {  	s9 =	smul.u32 $0xF7A, s1;
	s8 =	simm.s32 @!p0 $0x1BF5;
	p2 =	por !p2, p0  }
0x20: {  	[sflag:s8] =	ssyncset.s32 @!p0 $0xFFFFF086;
	s6 =	sadd.s32 @!p0 s3, s7;
	s7 =	simm.s32 @!p0 $0x108  }
0x21: {  	s3 =	sadd.s32 s3, s9;
	s6 =	sadd.s32 @!p0 $0x88, s6;
	s7 =	simm.s32 @p2 $0x1082  }
0x22: {  	[simem:s7], [sflag:s8] =	dma.local @!p0 [hbm:s6], $0xF7A  }
0x23: {  	s9 =	sor.u32 $0xD0000000, s2;
	s6 =	simm.s32 $0x108;
	_ =	swait.ge @!p0 [sflag:s8], $0x0  }
0x24: {  	s3 =	sadd.s32 $0x88, s3;
	s6 =	simm.s32 @!p1 $0x1082;
	[sflag:s4] =	ssyncset.s32 $0xFFFFF086  }
0x25: {  	[simem:s6], [sflag:s4] =	dma.local [hbm:s3], $0xF7A  }
0x26: {  	[smem:$0x3F9F] =	sst s1;
	(tag) =	ssettag s2;
	_ =	strace s9  }
0x27: {  	s1 =	sld [smem:$0x3FAF]  }
0x28: {  	s2 =	sld [smem:$0x3FB0]  }
0x29: {  	s4 =	sld [smem:$0x3FB2]  }
0x2a: {  	p0 =	seq.s32 s5, $0x0;
	s5 =	sld [smem:$0x3FB3]  }
0x2b: {  	s6 =	sld [smem:$0x3FB4]  }
0x2c: {  	s7 =	sld [smem:$0x3FB5]  }
0x2d: {  	s3 =	simm.s32 $0x108;
	s8 =	sld [smem:$0x3FB6]  }
0x2e: {  	s3 =	simm.s32 @!p0 $0x1082;
	s9 =	sld [smem:$0x3FB7]  }
0x2f: {  	lr =	sadd.s32 s0, s3;
	s0 =	sld [smem:$0x3FAE]  }
0x30: {  	s3 =	sld [smem:$0x3FB1]  }
0x31: {  	[smem:$0x3FBA] =	sst s10  }
0x32: {  	s10 =	sld [smem:$0x3FB8];
	_ =	sdelay $0x3  }
0x33: {  	p0 =	seq.s32 s10, $0x1;
	s10 =	sld [smem:$0x3FBA];
	_ =	sdelay $0x3  }
0x34: {  	[smem:$0x3FBA] =	sst s10  }
0x35: {  	s10 =	sld [smem:$0x3FB9];
	_ =	sdelay $0x3  }
0x36: {  	p1 =	seq.s32 s10, $0x1;
	s10 =	sld [smem:$0x3FBA];
	_ =	sdelay $0x3  }
0x37: {  	[smem:$0x3FBA] =	sst s10  }
0x38: {  	s10 =	sld [smem:$0x3FBB]  }
0x39: {  	_ = 	snop;
	(pc) =	sbr.ind lr, $3  }
0x3a: {  	_ = 	snop  }
0x3b: {  	_ = 	snop  }
0x3c: {  	p2 =	seq.s32 s10, $0x1;
	s10 =	sld [smem:$0x3FBA]  }
0x3d: {  	_ =	shalt  }
0x3e: {  	_ =	shalt  }
0x3f: {  	_ =	shalt  }
0x40: {  	_ =	shalt  }
0x41: {  	_ =	shalt  }
0x42: {  	_ =	shalt  }
0x43: {  	_ =	shalt  }
0x44: {  	_ =	shalt  }
0x45: {  	_ =	shalt  }
0x46: {  	_ =	shalt  }
0x47: {  	_ =	shalt  }
0x48: {  	_ =	shalt  }
0x49: {  	_ =	shalt  }
0x4a: {  	_ =	shalt  }
0x4b: {  	_ =	shalt  }
0x4c: {  	_ =	shalt  }
0x4d: {  	_ =	shalt  }
0x4e: {  	_ =	shalt  }
0x4f: {  	_ =	shalt  }
0x50: {  	_ =	shalt  }
0x51: {  	_ =	shalt  }
0x52: {  	_ =	shalt  }
0x53: {  	_ =	shalt  }
0x54: {  	_ =	shalt  }
0x55: {  	_ =	shalt  }
0x56: {  	_ =	shalt  }
0x57: {  	_ =	shalt  }
0x58: {  	_ =	shalt  }
0x59: {  	_ =	shalt  }
0x5a: {  	_ =	shalt  }
0x5b: {  	_ =	shalt  }
0x5c: {  	_ =	shalt  }
0x5d: {  	_ =	shalt  }
0x5e: {  	_ =	shalt  }
0x5f: {  	_ =	shalt  }
0x60: {  	_ =	shalt  }
0x61: {  	_ =	shalt  }
0x62: {  	_ =	shalt  }
0x63: {  	_ =	shalt  }
0x64: {  	_ =	shalt  }
0x65: {  	_ =	shalt  }
0x66: {  	_ =	shalt  }
0x67: {  	_ =	shalt  }
0x68: {  	_ =	shalt  }
0x69: {  	_ =	shalt  }
0x6a: {  	_ =	shalt  }
0x6b: {  	_ =	shalt  }
0x6c: {  	_ =	shalt  }
0x6d: {  	_ =	shalt  }
0x6e: {  	_ =	shalt  }
0x6f: {  	_ =	shalt  }
0x70: {  	_ =	shalt  }
0x71: {  	_ =	shalt  }
0x72: {  	_ =	shalt  }
0x73: {  	_ =	shalt  }
0x74: {  	_ =	shalt  }
0x75: {  	_ =	shalt  }
0x76: {  	_ =	shalt  }
0x77: {  	_ =	shalt  }
0x78: {  	_ =	shalt  }
0x79: {  	_ =	shalt  }
0x7a: {  	_ =	shalt  }
0x7b: {  	_ =	shalt  }
0x7c: {  	_ =	shalt  }
0x7d: {  	_ =	shalt  }
0x7e: {  	_ =	shalt  }
0x7f: {  	_ =	shalt  }
0x80: {  	_ =	shalt  }
0x81: {  	_ =	shalt  }
0x82: {  	_ =	shalt  }
0x83: {  	_ =	shalt  }
0x84: {  	_ =	shalt  }
0x85: {  	_ =	shalt  }
0x86: {  	_ =	shalt  }
0x87: {  	_ =	shalt  }
.Lfunc_end0:
.L_simem_size_0:
called_computation.1_lowered:
.L_overlay_start_0:
0x88: {  	s2 =	sld [smem:$0x3FD9]  }
0x89: {  	s3 =	sld [smem:$0x3FFE];
	_ =	sdelay $0x1  }
0x8a: {  	s1 =	srdreg.scid  }
0x8b: {  	s0 =	sand.u32 $0x1, s1  }
0x8c: {  	s17 =	sshll.u32 s0, $0xA;
	s2 =	sadd.s32 s3, s2  }
0x8d: {  	s2 =	sadd.s32 s2, s17  }
0x8e: {  	[smem:$0x3FC6] =	sst s2  }
0x8f: {  	_ = 	snop  }
0x90: {  	s2 =	sld [smem:$0x3FC9]  }
0x91: {  	s18 =	sld [smem:$0x3FD0];
	(tm) =	ssettm $0x1  }
0x92: {  	s4 =	sld [smem:$0x3FFB];
	_ =	sdelay $0x3  }
0x93: {  	_ =	strace s4  }
0x94: {  	s4 =	sld [smem:$0x3FFC];
	_ =	sdelay $0x3  }
0x95: {  	_ =	strace s4  }
0x96: {  	s4 =	sld [smem:$0x3FFD];
	_ =	sdelay $0x3  }
0x97: {  	_ =	strace s4  }
0x98: {  	_ =	strace $0x8FFFFFFF  }
0x99: {  	s19 =	sld [smem:$0x3FDB];
	_ =	sdelay $0x1  }
0x9a: {  	s5 =	simm.s32 $_scs_section_size  }
0x9b: {  	s6 =	simm.s32 $_size__tile_overlayer_lowered;
	s7 =	simm.s32 $_tile_overlayer_lowered  }
0x9c: {  	s22 =	simm.s32 $0x1BFF;
	s21 =	sshll.u32 s7, $0x1;
	s4 =	sadd.s32 s5, s19  }
0x9d: {  	s8 =	simm.s32 $0x0;
	s20 =	sshll.u32 s6, $0x1;
	s6 =	sadd.s32 s21, s4  }
0x9e: {  	[timem:s8], [sflag:s22] =	dma.local [hbm:s6], s20  }
0x9f: {  	_ =	swait.ge [sflag:s22], s20  }
0xa0: {  	s5 =	ssub.s32 $0x0, s20;
	[sflag:s22] =	ssyncset.done $0x0  }
0xa1: {  	[sflag:s22] =	ssyncadd.s32 s5;
	_ =	sdelay $0x1  }
0xa2: {  	s23 =	simm.s32 $0x1B8B  }
0xa3: {  	_ =	swait.ge [sflag:s23], $0x1  }
0xa4: {  	[sflag:s23] =	ssyncset.done $0x0  }
0xa5: {  	s25 =	simm.s32 $0x1B8E;
	s24 =	sld [smem:$0x3FFE];
	[sflag:s23] =	ssyncadd.s32 $0xFFFFFFFF  }
0xa6: {  	s26 =	simm.s32 $execute0_lowered;
	[smem:$0x3FD2] =	sst s25  }
0xa7: {  	s6 =	sshll.u32 s26, $0x1;
	_ =	strace $0x80000046;
	[dreg:$0x1] =	wrdreg $0xFFFFFFFF  }
0xa8: {  	s28 =	simm.s32 $_size_execute0_lowered;
	s4 =	sadd.s32 s4, s6;
	[dreg:$0x0] =	wrdreg $0x0  }
0xa9: {  	s6 =	sshll.u32 s28, $0x1;
	[dreg:$0x2] =	wrdreg s4  }
0xaa: {  	[dreg:$0x3] =	wrdreg s6  }
0xab: {  	[dreg:$0x4] =	wrdreg $0xC0  }
0xac: {  	_ =	task [dreg:s8], $0x5FFFF  }
0xad: {  	[dreg:$0x1] =	wrdreg $0xFFFFFFFF  }
0xae: {  	[dreg:$0x0] =	wrdreg $0x60  }
0xaf: {  	[dreg:$0x2] =	wrdreg s2  }
0xb0: {  	[dreg:$0x3] =	wrdreg s24  }
0xb1: {  	[dreg:$0x4] =	wrdreg s18  }
0xb2: {  	[dreg:$0x5] =	wrdreg $0x9  }
0xb3: {  	_ =	task.clear_ibuf [dreg:s8], $0x6FFFF;
	_ =	strace $0x90000046  }
0xb4: {  	s29 =	simm.s32 $0x9;
	_ =	strace $0x80000048  }
0xb5: {  	_ =	swait.ge [sflag:s29], $0x1  }
0xb6: {  	[sflag:s29] =	ssyncadd.s32 $0xFFFFFFFF  }
0xb7: {  	_ =	strace $0x90000048  }
0xb8: {  	_ =	sfence  }
0xb9: {  	s30 =	sld [smem:$0x0];
	_ =	sdelay $0x2  }
0xba: {  	s31 =	sshll.u32 s1, $0xD;
	s1 =	sshrl.u32 s1, $0x2  }
0xbb: {  	s3 =	sand.u32 $0x4000, s31;
	s1 =	sadd.s32 s1, s30  }
0xbc: {  	s0 =	sor.u32 s3, s0;
	s1 =	sshll.u32 s1, $0x11  }
0xbd: {  	s0 =	sor.u32 s1, s0  }
0xbe: {  	s0 =	sadd.s32 $0x8F2B, s0  }
0xbf: {  	[sflag:s0] =	ssyncadd.remote.s32 $0x1  }
0xc0: {  	_ =	sfence.sel $0xFFFF  }
0xc1: {  	[dreg:$0x0] =	wrdreg $0xFFFFFFFF;
	(pc) =	sbr.abs _section_cstart, $3  }
0xc2: {  	[dreg:$0x1] =	wrdreg $0xFFFFFFFF  }
0xc3: {  	_ =	task.clear_ibuf [dreg:s8], $0x2FFFF;
	_ =	strace $0x9FFFFFFF  }
0xc4: {  	(tm) =	ssettm $0x7FFFFFFF  }
0xc5: {  	_ =	shalt  }
tec
execute0_lowered:
.L_overlay_start_1:
0x0: {  	(tag) =	ssettag $0x1  }
0x1: {  	s0 =	srdreg.scid;
	s1 =	rddreg [dreg:$0x0]  }
0x2: {  	s2 =	stileid.u32;
	s6 =	rddreg [dreg:$0x1]  }
0x3: {  	s4 =	rddreg [dreg:$0x2];
	s5 =	simm.s32 $0x0;
	s8 =	simm.s32 $0x1  }
0x4: {  	s9 =	simm.s32 $0x80;
	s11 =	simm.s32 $0x48;
	s20 =	simm.s32 $0x12100  }
0x5: {  	s21 =	simm.s32 $0x258;
	s22 =	simm.s32 $0x14500;
	s23 =	simm.s32 $0x2D8  }
0x6: {  	s24 =	simm.s32 $0x18500;
	s25 =	simm.s32 $0x2;
	s28 =	simm.s32 $0x3  }
0x7: {  	s29 =	simm.s32 $0x7;
	s30 =	simm.s32 $0x4;
	s0 =	sand.u32 $0x1, s0  }
0x8: {  	s31 =	simm.s32 $0x8;
	s2 =	sshll.u32 s2, $0x6;
	s3 =	sshll.u32 s0, $0x5  }
.Ltmp0:
0x9: {  	s0 =	ssub.s32 $0x2, s0;
	s3 =	sor.u32 s3, s2;
	(pc) =	sbr.rel .LBB2_1-.Ltmp0, $4  }
0xa: {  	[smem:$0x7FF] =	sst s5;
	s26 =	sshrl.u32 s0, $0x1;
	s2 =	smul.u32 $0x19, s3  }
0xb: {  	s10 =	simm.s32 $0x0;
	_ =	strace $0x80000047;
	s0 =	ssub.s32 s0, s26  }
0xc: {  	s26 =	simm.s32 $0x6;
	s7 =	smax.u32 s0, $0x1;
	s2 =	sadd.s32 s2, s6  }
0xd: {  	s0 =	simm.s32 $0x9;
	s6 =	sadd.s32 $0x800, s2;
	s2 =	simm.s32 $0x5  }
.LBB2_12:
0xe: {  	s10 =	sadd.s32 $0x1, s10  }
0xf: {  	p0 =	sne.s32 s10, s7  }
.Ltmp1:
0x10: {  	_ = 	snop;
	(pc) =	sbr.rel @!p0 .LBB2_13-.Ltmp1, $1  }
0x11: {  	_ =	sdelay $0x3  }
.LBB2_1:
0x12: {  	[tilespmem:s5], [sflag:$0x1] =	stream.linear.gather [hbm4b:s6+s5], $0x1900, $0x38;
	[tilespmem:$0x1A900] =	vst v63  }
0x13: {  	_ =	swait.ge [sflag:s8], $0x1900  }
0x14: {  	[sflag:s8] =	ssyncset.done $0x0  }
0x15: {  	s12 =	simm.s32 $0x1900;
	[sflag:s8] =	ssyncadd.s32 $0xFFFFE700  }
0x16: {  	[tilespmem:s12], [sflag:$0x2] =	stream.indirect.gather [hbm4b:s1+s9], $0x80, s5, s9, $0xb8;
	[tilespmem:$0x1A900] =	vst v63  }
0x17: {  	s13 =	simm.s32 $0x5900  }
0x18: {  	[tilespmem:s13], [sflag:$0x2] =	stream.indirect.gather [hbm4b:s1+s11], $0x80, s9, s11, $0xb8;
	[tilespmem:$0x1A900] =	vst v63  }
0x19: {  	s14 =	simm.s32 $0xC8;
	s13 =	simm.s32 $0x7D00  }
0x1a: {  	[tilespmem:s13], [sflag:$0x3] =	stream.indirect.gather [hbm4b:s1+s9], $0x80, s14, s9, $0xb8;
	[tilespmem:$0x1A900] =	vst v63  }
0x1b: {  	s15 =	simm.s32 $0x148;
	s16 =	simm.s32 $0xBD00  }
0x1c: {  	[tilespmem:s16], [sflag:$0x3] =	stream.indirect.gather [hbm4b:s1+s11], $0x80, s15, s11, $0xb8;
	[tilespmem:$0x1A900] =	vst v63  }
0x1d: {  	s17 =	simm.s32 $0x190;
	s18 =	simm.s32 $0xE100  }
0x1e: {  	[tilespmem:s18], [sflag:$0x4] =	stream.indirect.gather [hbm4b:s1+s9], $0x80, s17, s9, $0xb8;
	[tilespmem:$0x1A900] =	vst v63  }
0x1f: {  	s19 =	simm.s32 $0x210  }
0x20: {  	[tilespmem:s20], [sflag:$0x4] =	stream.indirect.gather [hbm4b:s1+s11], $0x80, s19, s11, $0xb8;
	[tilespmem:$0x1A900] =	vst v63  }
0x21: {  	_ = 	snop  }
0x22: {  	[tilespmem:s22], [sflag:$0x5] =	stream.indirect.gather [hbm4b:s1+s9], $0x80, s21, s9, $0xb8;
	[tilespmem:$0x1A900] =	vst v63  }
0x23: {  	s12 =	simm.s32 $0x0  }
0x24: {  	[tilespmem:s24], [sflag:$0x5] =	stream.indirect.gather [hbm4b:s1+s11], $0x80, s23, s11, $0xb8;
	[tilespmem:$0x1A900] =	vst v63  }
.LBB2_2:
0x25: {  	_ =	swait.ge [sflag:s25], $0x4000;
	s14 =	sshll.u32 s12, $0x2  }
0x26: {  	[sflag:s25] =	ssyncset.done $0x0;
	s13 =	sadd.s32 s3, s14  }
0x27: {  	[sflag:s25] =	ssyncadd.s32 $0xFFFFC000;
	s13 =	smul.u32 $0x640, s13  }
0x28: {  	s15 =	simm.s32 $0x1900;
	_ =	swait.ge [sflag:s25], $0x2400  }
0x29: {  	s16 =	simm.s32 $0x8;
	[sflag:s25] =	ssyncset.done $0x0;
	s13 =	sadd.s32 s4, s13  }
0x2a: {  	s17 =	simm.s32 $0x1980;
	[sflag:s25] =	ssyncadd.s32 $0xFFFFDC00;
	s18 =	sadd.s32 $0x0, s13  }
.LBB2_3:
0x2b: {  	[hbm4b:s18+s5] =	stream.linear.scatter [tilespmem:s15], [sflag:$0x6], $0x40, $0x38;
	[tilespmem:$0x1A900] =	vst v63  }
0x2c: {  	s18 =	smov.u32 s16;
	s15 =	smov.u32 s17;
	p0 =	sne.s32 s16, $0x638  }
.Ltmp2:
0x2d: {  	s16 =	sadd.s32 $0x8, s16;
	(pc) =	sbr.rel @p0 .LBB2_3-.Ltmp2, $2  }
0x2e: {  	_ =	sdelay $0x2  }
0x2f: {  	s17 =	sadd.s32 $0x80, s17;
	s18 =	sadd.s32 s18, s13  }
0x30: {  	[hbm4b:s18+s5] =	stream.linear.scatter [tilespmem:s15], [sflag:$0x6], $0x40, $0x38;
	[tilespmem:$0x1A900] =	vst v63  }
0x31: {  	p0 =	seq.s32 s12, $0x7  }
0x32: {  	s13 =	smul.u32 @!p0 $0xC80, s12  }
0x33: {  	_ =	swait.ge [sflag:s26], $0x3200  }
0x34: {  	s16 =	simm.s32 @!p0 $0x80;
	[sflag:s26] =	ssyncset.done $0x0;
	s13 =	sshra.s32 @!p0 s13, $0x2  }
0x35: {  	s17 =	simm.s32 @!p0 $0x1900;
	[sflag:s26] =	ssyncadd.s32 $0xFFFFCE00;
	s15 =	sadd.s32 @!p0 $0x320, s13  }
0x36: {  	[tilespmem:s17], [sflag:$0x2] =	stream.indirect.gather @!p0 [hbm4b:s1+s16], $0x80, s15, s16, $0xb8;
	[tilespmem:$0x1A900] =	vst v63  }
0x37: {  	s15 =	sadd.s32 @!p0 $0x3A0, s13;
	s16 =	simm.s32 @!p0 $0x48;
	s17 =	simm.s32 @!p0 $0x5900  }
0x38: {  	[tilespmem:s17], [sflag:$0x2] =	stream.indirect.gather @!p0 [hbm4b:s1+s16], $0x80, s15, s16, $0xb8;
	[tilespmem:$0x1A900] =	vst v63  }
0x39: {  	s14 =	sadd.s32 s14, s3;
	_ =	swait.ge [sflag:s28], $0x4000  }
0x3a: {  	s14 =	smul.u32 $0x640, s14;
	[sflag:s28] =	ssyncset.done $0x0  }
0x3b: {  	[sflag:s28] =	ssyncadd.s32 $0xFFFFC000  }
0x3c: {  	s18 =	simm.s32 $0x7D80;
	s14 =	sadd.s32 s4, s14;
	_ =	swait.ge [sflag:s28], $0x2400  }
0x3d: {  	s15 =	sadd.s32 $0x640, s14;
	s16 =	simm.s32 $0x7D00;
	[sflag:s28] =	ssyncset.done $0x0  }
0x3e: {  	s17 =	simm.s32 $0x8;
	s19 =	sadd.s32 $0x0, s15;
	[sflag:s28] =	ssyncadd.s32 $0xFFFFDC00  }
.LBB2_5:
0x3f: {  	[hbm4b:s19+s5] =	stream.linear.scatter [tilespmem:s16], [sflag:$0x7], $0x40, $0x38;
	[tilespmem:$0x1A900] =	vst v63  }
0x40: {  	s19 =	smov.u32 s17;
	s16 =	smov.u32 s18;
	p1 =	sne.s32 s17, $0x638  }
.Ltmp3:
0x41: {  	s17 =	sadd.s32 $0x8, s17;
	(pc) =	sbr.rel @p1 .LBB2_5-.Ltmp3, $2  }
0x42: {  	_ =	sdelay $0x2  }
0x43: {  	s18 =	sadd.s32 $0x80, s18;
	s19 =	sadd.s32 s19, s15  }
0x44: {  	[hbm4b:s19+s5] =	stream.linear.scatter [tilespmem:s16], [sflag:$0x7], $0x40, $0x38;
	[tilespmem:$0x1A900] =	vst v63  }
0x45: {  	_ =	swait.ge [sflag:s29], $0x3200  }
0x46: {  	s15 =	sadd.s32 @!p0 $0x3E8, s13;
	[sflag:s29] =	ssyncset.done $0x0  }
0x47: {  	s16 =	simm.s32 @!p0 $0x80;
	s17 =	simm.s32 @!p0 $0x7D00;
	[sflag:s29] =	ssyncadd.s32 $0xFFFFCE00  }
0x48: {  	[tilespmem:s17], [sflag:$0x3] =	stream.indirect.gather @!p0 [hbm4b:s1+s16], $0x80, s15, s16, $0xb8;
	[tilespmem:$0x1A900] =	vst v63  }
0x49: {  	s15 =	sadd.s32 @!p0 $0x468, s13;
	s16 =	simm.s32 @!p0 $0x48;
	s17 =	simm.s32 @!p0 $0xBD00  }
0x4a: {  	[tilespmem:s17], [sflag:$0x3] =	stream.indirect.gather @!p0 [hbm4b:s1+s16], $0x80, s15, s16, $0xb8;
	[tilespmem:$0x1A900] =	vst v63  }
0x4b: {  	_ =	swait.ge [sflag:s30], $0x4000  }
0x4c: {  	[sflag:s30] =	ssyncset.done $0x0  }
0x4d: {  	[sflag:s30] =	ssyncadd.s32 $0xFFFFC000  }
0x4e: {  	s18 =	simm.s32 $0xE180;
	_ =	swait.ge [sflag:s30], $0x2400  }
0x4f: {  	s15 =	sadd.s32 $0xC80, s14;
	s16 =	simm.s32 $0xE100;
	[sflag:s30] =	ssyncset.done $0x0  }
0x50: {  	s17 =	simm.s32 $0x8;
	s19 =	sadd.s32 $0x0, s15;
	[sflag:s30] =	ssyncadd.s32 $0xFFFFDC00  }
.LBB2_7:
0x51: {  	[hbm4b:s19+s5] =	stream.linear.scatter [tilespmem:s16], [sflag:$0x8], $0x40, $0x38;
	[tilespmem:$0x1A900] =	vst v63  }
0x52: {  	s19 =	smov.u32 s17;
	s16 =	smov.u32 s18;
	p1 =	sne.s32 s17, $0x638  }
.Ltmp4:
0x53: {  	s17 =	sadd.s32 $0x8, s17;
	(pc) =	sbr.rel @p1 .LBB2_7-.Ltmp4, $2  }
0x54: {  	_ =	sdelay $0x2  }
0x55: {  	s18 =	sadd.s32 $0x80, s18;
	s19 =	sadd.s32 s19, s15  }
0x56: {  	[hbm4b:s19+s5] =	stream.linear.scatter [tilespmem:s16], [sflag:$0x8], $0x40, $0x38;
	[tilespmem:$0x1A900] =	vst v63  }
0x57: {  	_ =	swait.ge [sflag:s31], $0x3200  }
0x58: {  	s15 =	sadd.s32 @!p0 $0x4B0, s13;
	[sflag:s31] =	ssyncset.done $0x0  }
0x59: {  	s16 =	simm.s32 @!p0 $0x80;
	s17 =	simm.s32 @!p0 $0xE100;
	[sflag:s31] =	ssyncadd.s32 $0xFFFFCE00  }
0x5a: {  	[tilespmem:s17], [sflag:$0x4] =	stream.indirect.gather @!p0 [hbm4b:s1+s16], $0x80, s15, s16, $0xb8;
	[tilespmem:$0x1A900] =	vst v63  }
0x5b: {  	s13 =	sadd.s32 @!p0 $0x530, s13;
	s15 =	simm.s32 @!p0 $0x48;
	s16 =	simm.s32 @!p0 $0x12100  }
0x5c: {  	[tilespmem:s16], [sflag:$0x4] =	stream.indirect.gather @!p0 [hbm4b:s1+s15], $0x80, s13, s15, $0xb8;
	[tilespmem:$0x1A900] =	vst v63  }
0x5d: {  	_ =	swait.ge [sflag:s2], $0x4000  }
0x5e: {  	[sflag:s2] =	ssyncset.done $0x0  }
0x5f: {  	[sflag:s2] =	ssyncadd.s32 $0xFFFFC000  }
0x60: {  	s13 =	sadd.s32 $0x12C0, s14;
	_ =	swait.ge [sflag:s2], $0x2400  }
0x61: {  	s14 =	simm.s32 $0x14500;
	s15 =	simm.s32 $0x8;
	[sflag:s2] =	ssyncset.done $0x0  }
0x62: {  	s16 =	simm.s32 $0x14580;
	s17 =	sadd.s32 $0x0, s13;
	[sflag:s2] =	ssyncadd.s32 $0xFFFFDC00  }
.LBB2_9:
0x63: {  	[hbm4b:s17+s5] =	stream.linear.scatter [tilespmem:s14], [sflag:$0x9], $0x40, $0x38;
	[tilespmem:$0x1A900] =	vst v63  }
0x64: {  	s17 =	smov.u32 s15;
	s14 =	smov.u32 s16;
	p1 =	sne.s32 s15, $0x638  }
.Ltmp5:
0x65: {  	s15 =	sadd.s32 $0x8, s15;
	(pc) =	sbr.rel @p1 .LBB2_9-.Ltmp5, $2  }
0x66: {  	_ =	sdelay $0x2  }
0x67: {  	s16 =	sadd.s32 $0x80, s16;
	s17 =	sadd.s32 s17, s13  }
.Ltmp6:
0x68: {  	(pc) =	sbr.rel @p0 .LBB2_12-.Ltmp6, $4  }
0x69: {  	[hbm4b:s17+s5] =	stream.linear.scatter [tilespmem:s14], [sflag:$0x9], $0x40, $0x38;
	[tilespmem:$0x1A900] =	vst v63  }
0x6a: {  	_ =	swait.ge [sflag:s0], $0x3200  }
0x6b: {  	[sflag:s0] =	ssyncset.done $0x0  }
0x6c: {  	[sflag:s0] =	ssyncadd.s32 $0xFFFFCE00  }
0x6d: {  	s13 =	smul.u32 $0xC80, s12;
	_ =	sdelay $0x1  }
.Ltmp7:
0x6e: {  	s13 =	sshra.s32 s13, $0x2;
	(pc) =	sbr.rel .LBB2_2-.Ltmp7, $4  }
0x6f: {  	s14 =	sadd.s32 $0x578, s13  }
0x70: {  	[tilespmem:s22], [sflag:$0x5] =	stream.indirect.gather [hbm4b:s1+s9], $0x80, s14, s9, $0xb8;
	[tilespmem:$0x1A900] =	vst v63  }
0x71: {  	s12 =	sadd.s32 $0x1, s12;
	s13 =	sadd.s32 $0x5F8, s13  }
0x72: {  	[tilespmem:s24], [sflag:$0x5] =	stream.indirect.gather [hbm4b:s1+s11], $0x80, s13, s11, $0xb8;
	[tilespmem:$0x1A900] =	vst v63  }
.LBB2_13:
0x73: {  	_ =	sfence.sel $0x180000  }
0x74: {  	[bflag:$0x0] =	sbarrier.arrive $0xFFFF  }
0x75: {  	_ =	strace $0x90000047  }
0x76: {  	s0 =	stileid.u32;
	[bflag:$0x2] =	sbarrier.arrive $0xFFFF  }
0x77: {  	p0 =	sne.s32 s0, $0x0;
	s0 =	rddreg [dreg:$0x3]  }
0x78: {  	s0 =	sadd.s32 @!p0 $0x100000, s0  }
0x79: {  	[sflag:s0] =	ssyncadd.tile.s32 @!p0 $0x1;
	_ =	shalt  }
.Lfunc_end2:
_tile_overlayer_lowered:
.L_overlay_start_2:
0x7a: {  	(tag) =	ssettag $0x2  }
0x7b: {  	s0 =	rddreg [dreg:$0x0];
	s2 =	stileid.u32  }
0x7c: {  	s1 =	rddreg [dreg:$0x1];
	p0 =	sne.s32 s2, $0x0  }
0x7d: {  	s3 =	rddreg [dreg:$0x2];
	[bflag:$0x3] =	sbarrier.arrive $0xFFFF;
	s2 =	simm.s32 @!p0 $0x1C0A  }
0x7e: {  	[timem:s3], [sflag:s2] =	dma.local @!p0 [hbm:s0], s1  }
0x7f: {  	s0 =	simm.s32 @!p0 $0xA  }
0x80: {  	_ =	swait.ge @!p0 [sflag:s0], s1  }
0x81: {  	s1 =	ssub.s32 @!p0 $0x0, s1;
	[sflag:s0] =	ssyncset.done @!p0 $0x0  }
0x82: {  	[sflag:s0] =	ssyncadd.s32 @!p0 s1  }
0x83: {  	[bflag:$0x3] =	sbarrier.arrive $0xFFFF  }
0x84: {  	_ =	shalt  }

// kernel: sparse-core-data-format-call.cloned.1.call-start
scs
called_computation_lowered:
.L_overlay_start_0:
0x0: {  	s2 =	sld [smem:$0x3FD9]  }
0x1: {  	s3 =	sld [smem:$0x3FFE];
	_ =	sdelay $0x1  }
0x2: {  	s1 =	srdreg.scid  }
0x3: {  	s0 =	sand.u32 $0x1, s1  }
0x4: {  	s18 =	sshll.u32 s0, $0xA;
	s2 =	sadd.s32 s3, s2  }
0x5: {  	s2 =	sadd.s32 s2, s18  }
0x6: {  	[smem:$0x3FC6] =	sst s2  }
0x7: {  	_ = 	snop  }
0x8: {  	s2 =	sld [smem:$0x3FD0];
	(tm) =	ssettm $0x1  }
0x9: {  	s19 =	sld [smem:$0x3FFB];
	_ =	sdelay $0x3  }
0xa: {  	_ =	strace s19  }
0xb: {  	s3 =	sld [smem:$0x3FFC];
	_ =	sdelay $0x3  }
0xc: {  	_ =	strace s3  }
0xd: {  	s3 =	sld [smem:$0x3FFD];
	_ =	sdelay $0x3  }
0xe: {  	_ =	strace s3  }
0xf: {  	_ =	strace $0x8FFFFFFF  }
0x10: {  	s20 =	sld [smem:$0x3FDB];
	_ =	sdelay $0x1  }
0x11: {  	s4 =	simm.s32 $_scs_section_size  }
0x12: {  	s5 =	simm.s32 $_size__tile_overlayer_lowered;
	s6 =	simm.s32 $_tile_overlayer_lowered  }
0x13: {  	s23 =	simm.s32 $0x1BFF;
	s22 =	sshll.u32 s6, $0x1;
	s3 =	sadd.s32 s4, s20  }
0x14: {  	s7 =	simm.s32 $0x0;
	s21 =	sshll.u32 s5, $0x1;
	s5 =	sadd.s32 s22, s3  }
0x15: {  	[timem:s7], [sflag:s23] =	dma.local [hbm:s5], s21  }
0x16: {  	_ =	swait.ge [sflag:s23], s21  }
0x17: {  	s4 =	ssub.s32 $0x0, s21;
	[sflag:s23] =	ssyncset.done $0x0  }
0x18: {  	[sflag:s23] =	ssyncadd.s32 s4;
	_ =	sdelay $0x1  }
0x19: {  	s24 =	simm.s32 $0x1B8B  }
0x1a: {  	_ =	swait.ge [sflag:s24], $0x1  }
0x1b: {  	[sflag:s24] =	ssyncset.done $0x0  }
0x1c: {  	s26 =	simm.s32 $0x1B8E;
	s25 =	sld [smem:$0x3FFE];
	[sflag:s24] =	ssyncadd.s32 $0xFFFFFFFF  }
0x1d: {  	s27 =	simm.s32 $execute0_lowered;
	[smem:$0x3FD2] =	sst s26  }
0x1e: {  	s5 =	sshll.u32 s27, $0x1;
	_ =	strace $0x80000049;
	[dreg:$0x1] =	wrdreg $0xFFFFFFFF  }
0x1f: {  	s28 =	simm.s32 $_size_execute0_lowered;
	s3 =	sadd.s32 s3, s5;
	[dreg:$0x0] =	wrdreg $0x0  }
0x20: {  	s5 =	sshll.u32 s28, $0x1;
	[dreg:$0x2] =	wrdreg s3  }
0x21: {  	[dreg:$0x3] =	wrdreg s5  }
0x22: {  	[dreg:$0x4] =	wrdreg $0xC0  }
0x23: {  	_ =	task [dreg:s7], $0x5FFFF  }
0x24: {  	[dreg:$0x1] =	wrdreg $0xFFFFFFFF  }
0x25: {  	[dreg:$0x0] =	wrdreg $0x60  }
0x26: {  	[dreg:$0x2] =	wrdreg s25  }
0x27: {  	[dreg:$0x3] =	wrdreg s2  }
0x28: {  	[dreg:$0x4] =	wrdreg $0x9  }
0x29: {  	_ =	task.clear_ibuf [dreg:s7], $0x5FFFF;
	_ =	strace $0x90000049  }
0x2a: {  	s29 =	simm.s32 $0x9;
	_ =	strace $0x8000004B  }
0x2b: {  	_ =	swait.ge [sflag:s29], $0x1  }
0x2c: {  	[sflag:s29] =	ssyncadd.s32 $0xFFFFFFFF  }
0x2d: {  	_ =	strace $0x9000004B  }
0x2e: {  	_ =	sfence  }
0x2f: {  	s30 =	sld [smem:$0x0];
	_ =	sdelay $0x2  }
0x30: {  	s31 =	sshll.u32 s1, $0xD;
	s1 =	sshrl.u32 s1, $0x2  }
0x31: {  	s3 =	sand.u32 $0x4000, s31;
	s1 =	sadd.s32 s1, s30  }
0x32: {  	s0 =	sor.u32 s3, s0;
	s1 =	sshll.u32 s1, $0x11  }
0x33: {  	s0 =	sor.u32 s1, s0  }
0x34: {  	s0 =	sadd.s32 $0x8F2B, s0  }
0x35: {  	[sflag:s0] =	ssyncadd.remote.s32 $0x1  }
0x36: {  	_ =	sfence.sel $0xFFFF  }
0x37: {  	[dreg:$0x0] =	wrdreg $0xFFFFFFFF;
	(pc) =	sbr.abs _section_cstart, $3  }
0x38: {  	[dreg:$0x1] =	wrdreg $0xFFFFFFFF  }
0x39: {  	_ =	task.clear_ibuf [dreg:s7], $0x2FFFF;
	_ =	strace $0x9FFFFFFF  }
0x3a: {  	(tm) =	ssettm $0x7FFFFFFF  }
0x3b: {  	_ =	shalt  }
tec
execute0_lowered:
.L_overlay_start_1:
0x0: {  	(tag) =	ssettag $0x1  }
0x1: {  	s0 =	stileid.u32;
	s6 =	rddreg [dreg:$0x0]  }
0x2: {  	s2 =	rddreg [dreg:$0x1];
	s5 =	srdreg.scid  }
0x3: {  	s31 =	simm.s32 $0x2;
	s13 =	simm.s32 $0x0;
	s1 =	sshll.u32 s0, $0x7  }
0x4: {  	s14 =	simm.s32 $0x0;
	s12 =	simm.s32 $0x0;
	s3 =	sand.u32 $0x380, s1  }
0x5: {  	s5 =	sshll.u32 s5, $0x4;
	s6 =	sadd.s32 $0x800, s6;
	s4 =	ssub.s32 $0x400, s3  }
0x6: {  	s1 =	rddreg [dreg:$0x2];
	_ =	strace $0x8000004A;
	s7 =	sand.u32 $0x380, s4  }
0x7: {  	s5 =	sand.u32 $0x10, s5;
	p0 =	sne.s32 s7, $0x0;
	s7 =	simm.s32 $0x1  }
.Ltmp0:
0x8: {  	s8 =	sshrl.u32 s4, $0xA;
	s7 =	simm.s32 @!p0 $0x0;
	(pc) =	sbr.rel .LBB1_1-.Ltmp0, $4  }
0x9: {  	s9 =	sor.u32 s0, s5;
	s4 =	simm.s32 $0x1;
	s30 =	sadd.s32 s7, s8  }
0xa: {  	s11 =	smov.u32 s3;
	[sflag:s4] =	ssyncpa.u1 $0x0;
	s5 =	smul.u32 $0x32, s30  }
0xb: {  	[sflag:s31] =	ssyncpa.u1 $0x0;
	p0 =	por $0x0, $0x0;
	s7 =	sshrl.u32 s9, $0x3  }
0xc: {  	s9 =	simm.s32 $0x2000;
	s10 =	smov.u32 s7;
	s8 =	sor.u32 $0x1, s5  }
.LBB1_4:
0xd: {  	s17 =	sand.u32 $0x1F80, s14;
	s13 =	sshll.u32 s13, $0xD  }
0xe: {  	[tilespmem:s16+$0x810 ss:$0x81] =	vst.msk $0xffff, v2;
	s18 =	sshrl.u32 s14, $0x3;
	s31 =	sand.u32 $0x7, s14;
	s17 =	sadd.s32 s2, s17  }
0xf: {  	[tilespmem:s16+$0x1020 ss:$0x81] =	vst.msk $0xffff, v0;
	s18 =	sand.u32 $0xF, s18;
	s14 =	sshll.u32 s31, $0x12;
	s13 =	sadd.s32 s13, s17  }
0x10: {  	[tilespmem:s16+$0x0 ss:$0x81] =	vst.msk $0xffff, v1;
	s14 =	sor.u32 $0x400, s14;
	s13 =	sadd.s32 s18, s13  }
0x11: {  	[hbm4b:s13+s14] =	stream.strided.scatter [tilespmem:s15], [sflag:$0x2], $0x2000, s9, s14, $0x20;
	[tilespmem:$0x8080] =	vst v63  }
.LBB1_5:
0x12: {  	s15 =	sadd.s32 $0x4, s10  }
0x13: {  	s13 =	sadd.s32 $0x400, s11;
	s17 =	smov.u32 s11;
	p2 =	sgt.s32 s15, $0xC7  }
0x14: {  	s17 =	smov.u32 @p2 s13  }
0x15: {  	s15 =	smov.u32 @p2 s7;
	p2 =	sgt.s32 s17, $0x3FF  }
0x16: {  	s17 =	smov.u32 @p2 s3;
	p2 =	sne.s32 s12, s8  }
.Ltmp1:
0x17: {  	p1 =	slt.u32 s12, $0x2;
	(pc) =	sbr.rel @!p2 .LBB1_6-.Ltmp1, $4  }
0x18: {  	s16 =	simm.s32 @!p1 $0x2  }
0x19: {  	s14 =	smov.u32 s11;
	p0 =	por !p0, !p0;
	_ =	swait.ge @!p1 [sflag:s16], $0x2000  }
0x1a: {  	s13 =	smov.u32 s10;
	[sflag:s16] =	ssyncset.done @!p1 $0x0;
	s10 =	smov.u32 s15  }
0x1b: {  	s12 =	sadd.s32 $0x1, s12;
	[sflag:s16] =	ssyncadd.s32 @!p1 $0xFFFFE000;
	s11 =	smov.u32 s17  }
.LBB1_1:
0x1c: {  	p1 =	sge.u32 s12, s5  }
0x1d: {  	s15 =	sand.u32 @!p1 $0x1FFFFFF, s10  }
0x1e: {  	s16 =	smulhi.u32 @!p1 $0x147AE15, s15;
	_ =	sdelay $0x1  }
0x1f: {  	s16 =	smul.u32 @!p1 $0xC8, s16  }
0x20: {  	s17 =	sxor.u32 @!p1 $0xFFFFFFFF, s12;
	s18 =	smul.u32 @!p1 $0xC80, s11  }
0x21: {  	s31 =	sadd.s32 $0xFFFFFFFF, s12;
	s17 =	sshll.u32 @!p1 s17, $0xD;
	s15 =	ssub.s32 @!p1 s15, s16  }
0x22: {  	s16 =	sand.u32 @!p1 $0x2000, s17;
	s17 =	sadd.s32 @!p1 s6, s18;
	s15 =	sshll.u32 @!p1 s15, $0x4  }
0x23: {  	s18 =	simm.s32 @!p1 $0x6400;
	s15 =	sadd.s32 @!p1 s15, s17;
	s17 =	simm.s32 @!p1 $0x40  }
0x24: {  	[tilespmem:s16], [sflag:$0x1] =	stream.strided.gather @!p1 [hbm4b:s15+s17], $0x2000, s18, s17, $0x38;
	[tilespmem:$0x8080] =	vst v63  }
0x25: {  	p1 =	sge.u32 s31, s5  }
.Ltmp2:
0x26: {  	_ = 	snop;
	(pc) =	sbr.rel @p1 .LBB1_5-.Ltmp2, $1  }
0x27: {  	_ =	sdelay $0x3  }
0x28: {  	s15 =	simm.s32 $0x1  }
0x29: {  	_ =	swait.ge [sflag:s4], $0x2000;
	s15 =	simm.s32 @!p0 $0x0  }
0x2a: {  	[sflag:s4] =	ssyncset.done $0x0;
	s16 =	sshll.u32 s15, $0xD  }
0x2b: {  	[sflag:s4] =	ssyncadd.s32 $0xFFFFE000;
	s19 =	sor.u32 $0x20, s16  }
0x2c: {  	s15 =	smul.u32 $0x8100, s15;
	v3 =	vld [tilespmem:s19+$0x10]  }
0x2d: {  	s30 =	sand.u32 $0x1, s12;
	v2 =	vld [tilespmem:s19+$0xFFFFFFF0]  }
0x2e: {  	s16 =	smul.u32 $0x8100, s30;
	s15 =	sshrl.u32 s15, $0x2;
	v0 =	vld [tilespmem:s19+$0x0]  }
0x2f: {  	v1 =	vld [tilespmem:s19+$0xFFFFFFE0];
	s17 =	sor.u32 $0x4000, s15  }
0x30: {  	s31 =	sshrl.u32 s16, $0x2;
	s16 =	sadd.s32 $0x0, s17  }
0x31: {  	s18 =	simm.s32 $0x4;
	s19 =	sadd.s32 $0x40, s19;
	s15 =	sor.u32 $0x4000, s31;
	[tilespmem:s16+$0x1830 ss:$0x81] =	vst.msk $0xffff, v3  }
.LBB1_3:
0x32: {  	v3 =	vld [tilespmem:s19+$0x10];
	p1 =	sne.s32 s18, $0x1FC;
	[tilespmem:s16+$0x810 ss:$0x81] =	vst.msk $0xffff, v2;
	s20 =	smov.u32 s18;
	s18 =	sadd.s32 $0x4, s18  }
.Ltmp3:
0x33: {  	v2 =	vld [tilespmem:s19+$0xFFFFFFF0];
	[tilespmem:s16+$0x1020 ss:$0x81] =	vst.msk $0xffff, v0;
	(pc) =	sbr.rel @p1 .LBB1_3-.Ltmp3, $4  }
0x34: {  	v0 =	vld [tilespmem:s19+$0x0];
	[tilespmem:s16+$0x0 ss:$0x81] =	vst.msk $0xffff, v1  }
0x35: {  	s16 =	sshra.s32 s20, $0x2;
	v1 =	vld [tilespmem:s19+$0xFFFFFFE0]  }
0x36: {  	s16 =	sadd.s32 s16, s17  }
0x37: {  	s19 =	sadd.s32 $0x40, s19;
	[tilespmem:s16+$0x1830 ss:$0x81] =	vst.msk $0xffff, v3  }
.Ltmp4:
0x38: {  	_ = 	snop;
	(pc) =	sbr.rel .LBB1_4-.Ltmp4, $1  }
0x39: {  	_ =	sdelay $0x3  }
.LBB1_6:
0x3a: {  	_ =	sfence.sel $0x180000  }
0x3b: {  	s2 =	simm.s32 $0x1;
	[bflag:$0x0] =	sbarrier.arrive $0xFFFF  }
0x3c: {  	s31 =	simm.s32 $0x2;
	[sflag:s2] =	ssyncpa.u1 $0x1  }
0x3d: {  	[sflag:s31] =	ssyncpa.u1 $0x1  }
0x3e: {  	p0 =	sne.s32 s0, $0x0;
	_ =	strace $0x9000004A  }
0x3f: {  	s0 =	sadd.s32 @!p0 $0x100000, s1;
	[bflag:$0x2] =	sbarrier.arrive $0xFFFF  }
0x40: {  	[sflag:s0] =	ssyncadd.tile.s32 @!p0 $0x1;
	_ =	shalt  }
.Lfunc_end1:
_tile_overlayer_lowered:
.L_overlay_start_2:
0x41: {  	(tag) =	ssettag $0x2  }
0x42: {  	s0 =	rddreg [dreg:$0x0];
	s2 =	stileid.u32  }
0x43: {  	s1 =	rddreg [dreg:$0x1];
	p0 =	sne.s32 s2, $0x0  }
0x44: {  	s3 =	rddreg [dreg:$0x2];
	[bflag:$0x3] =	sbarrier.arrive $0xFFFF;
	s2 =	simm.s32 @!p0 $0x1C01  }
0x45: {  	[timem:s3], [sflag:s2] =	dma.local @!p0 [hbm:s0], s1  }
0x46: {  	s0 =	simm.s32 @!p0 $0x1  }
0x47: {  	_ =	swait.ge @!p0 [sflag:s0], s1  }
0x48: {  	s1 =	ssub.s32 @!p0 $0x0, s1;
	[sflag:s0] =	ssyncset.done @!p0 $0x0  }
0x49: {  	[sflag:s0] =	ssyncadd.s32 @!p0 s1  }
0x4a: {  	[bflag:$0x3] =	sbarrier.arrive $0xFFFF  }
0x4b: {  	_ =	shalt  }

</sc_bundles>
